<compile_context>
chip_gen: v7x
topology: tpu7x:2x2x1
jax: 0.10.2.dev20260603
libtpu: 0.0.44.dev20260713+nightly
codegen_flags: <defaults>
</compile_context>

<pallas_src>
import functools

import jax
import jax.numpy as jnp
from jax import lax
from jax.experimental import pallas as pl
from jax.experimental.pallas import tpu as pltpu
from jax.experimental.pallas import tpu_sc as plsc

F32 = jnp.float32

NC = 2
NS = 16
NW = NC * NS

N_NODES = 10000
DIM = 128
E = 320000
EPW = E // NW
CH = 80
NCH = EPW // CH
ROWS_PS = 640
BDEC = 8192
DEC_PW = BDEC // NW


def _sds(shape, dtype=F32):
  return jax.ShapeDtypeStruct(shape, dtype)


def _row_start(sid):
  return lax.min(sid * ROWS_PS, N_NODES - ROWS_PS)


def _sc_degrees(src, dst):
  mesh = plsc.VectorSubcoreMesh(core_axis_name="c", subcore_axis_name="s")

  @functools.partial(
      pl.kernel,
      out_type=(_sds((NW, N_NODES)), _sds((NW, N_NODES))),
      mesh=mesh,
      scratch_types=[
          pltpu.VMEM((EPW,), jnp.int32),
          pltpu.VMEM((EPW,), jnp.int32),
          pltpu.VMEM((N_NODES,), F32),
          pltpu.VMEM((N_NODES,), F32),
      ],
      compiler_params=pltpu.CompilerParams(needs_layout_passes=False),
  )
  def deg_kernel(src_hbm, dst_hbm, dout_hbm, din_hbm, sidx, didx, ho, hi):
    cid = lax.axis_index("c")
    sid = lax.axis_index("s")
    wid = sid * NC + cid
    pltpu.sync_copy(src_hbm.at[pl.ds(wid * EPW, EPW)], sidx)
    pltpu.sync_copy(dst_hbm.at[pl.ds(wid * EPW, EPW)], didx)

    zero16 = jnp.zeros((16,), F32)

    def zbody(i, _):
      ho[pl.ds(i * 16, 16)] = zero16
      hi[pl.ds(i * 16, 16)] = zero16
      return ()

    lax.fori_loop(0, N_NODES // 16, zbody, ())

    ones16 = jnp.ones((16,), F32)

    def body(i, _):
      plsc.addupdate_scatter(ho, [sidx[pl.ds(i * 16, 16)]], ones16)
      plsc.addupdate_scatter(hi, [didx[pl.ds(i * 16, 16)]], ones16)
      return ()

    lax.fori_loop(0, EPW // 16, body, ())
    pltpu.sync_copy(ho, dout_hbm.at[wid])
    pltpu.sync_copy(hi, din_hbm.at[wid])

  return deg_kernel(src, dst)


CHP = 88
EPP = 10032
NCHP = EPP // CHP
N_PAD = N_NODES + 16


def _sc_aggregate(node_pad, srcp, dstp, znode):
  mesh = plsc.VectorSubcoreMesh(core_axis_name="c", subcore_axis_name="s")

  @functools.partial(
      pl.kernel,
      out_type=_sds((NC, N_NODES, DIM)),
      mesh=mesh,
      scratch_types=[
          pltpu.VMEM((CHP,), jnp.int32),
          pltpu.VMEM((CHP,), jnp.int32),
          pltpu.VMEM((CHP,), jnp.int32),
          pltpu.VMEM((CHP,), jnp.int32),
          pltpu.VMEM((CHP, DIM), F32),
          pltpu.VMEM_SHARED((N_NODES, DIM), F32),
          pltpu.SemaphoreType.DMA,
          pltpu.SemaphoreType.DMA,
          pltpu.SemaphoreType.DMA,
      ],
  )
  def agg_kernel(nodef, srcp_h, dstp_h, znode_h, out_hbm,
                 sidx_a, didx_a, sidx_b, didx_b, rows, acc, sem, is_a, is_b):
    cid = lax.axis_index("c")
    sid = lax.axis_index("s")
    wid = sid * NC + cid
    rs = _row_start(sid)
    pltpu.sync_copy(znode_h.at[pl.ds(rs, ROWS_PS)], acc.at[pl.ds(rs, ROWS_PS)])
    plsc.subcore_barrier()

    ebase = wid * EPP
    last_off = ebase + (NCHP - 1) * CHP

    def fire_pair(off, si, di, s):
      pltpu.async_copy(srcp_h.at[pl.ds(off, CHP)], si, s)
      pltpu.async_copy(dstp_h.at[pl.ds(off, CHP)], di, s)

    def wait_pair(off, si, di, s):
      pltpu.make_async_copy(srcp_h.at[pl.ds(off, CHP)], si, s).wait()
      pltpu.make_async_copy(dstp_h.at[pl.ds(off, CHP)], di, s).wait()

    fire_pair(ebase, sidx_a, didx_a, is_a)

    def body(j, _):
      off_e = ebase + (2 * j) * CHP
      off_o = off_e + CHP
      wait_pair(off_e, sidx_a, didx_a, is_a)
      fire_pair(off_o, sidx_b, didx_b, is_b)
      pltpu.async_copy(nodef.at[sidx_a], rows, sem).wait()
      pltpu.sync_copy(rows, acc.at[didx_a], add=True)
      wait_pair(off_o, sidx_b, didx_b, is_b)
      fire_pair(lax.min(off_o + CHP, last_off), sidx_a, didx_a, is_a)
      pltpu.async_copy(nodef.at[sidx_b], rows, sem).wait()
      pltpu.sync_copy(rows, acc.at[didx_b], add=True)
      return ()

    lax.fori_loop(0, NCHP // 2, body, ())
    wait_pair(ebase, sidx_a, didx_a, is_a)
    plsc.subcore_barrier()
    pltpu.sync_copy(acc.at[pl.ds(rs, ROWS_PS)],
                    out_hbm.at[cid, pl.ds(rs, ROWS_PS)])

  return agg_kernel(node_pad, srcp, dstp, znode)


def _sc_decoder_gather(user_embed, item_embed, user_id, pos_id, neg_id):
  mesh = plsc.VectorSubcoreMesh(core_axis_name="c", subcore_axis_name="s")
  CHD = 128
  NCHD = DEC_PW // CHD

  @functools.partial(
      pl.kernel,
      out_type=_sds((3, BDEC, DIM)),
      mesh=mesh,
      scratch_types=[
          pltpu.VMEM((CHD,), jnp.int32),
          pltpu.VMEM((CHD, DIM), F32),
          pltpu.SemaphoreType.DMA,
      ],
  )
  def gather_kernel(ue_hbm, ie_hbm, uid_hbm, pid_hbm, nid_hbm, out_hbm,
                    idx, rows, sem):
    cid = lax.axis_index("c")
    sid = lax.axis_index("s")
    wid = sid * NC + cid
    base = wid * DEC_PW
    for t, (tab, ids) in enumerate(
        ((ue_hbm, uid_hbm), (ie_hbm, pid_hbm), (ie_hbm, nid_hbm))):
      for c in range(NCHD):
        off = base + c * CHD
        pltpu.sync_copy(ids.at[pl.ds(off, CHD)], idx)
        pltpu.async_copy(tab.at[idx], rows, sem).wait()
        pltpu.sync_copy(rows, out_hbm.at[t, pl.ds(off, CHD)])

  return gather_kernel(user_embed, item_embed, user_id, pos_id, neg_id)


def _tc_encoder(uf, itf, Wu, bu, Wi, bi):
  def body(uf_r, it_r, wu_r, bu_r, wi_r, bi_r, ue_o, ie_o):
    ue = jnp.dot(uf_r[...], wu_r[...], preferred_element_type=F32)
    ue_o[...] = jnp.maximum(ue + bu_r[...][None, :], 0.0)
    ie = jnp.dot(it_r[...], wi_r[...], preferred_element_type=F32)
    ie_o[...] = jnp.maximum(ie + bi_r[...][None, :], 0.0)

  nu, ni = uf.shape[0], itf.shape[0]
  return pl.pallas_call(
      body,
      out_shape=(_sds((nu, DIM)), _sds((ni, DIM))),
  )(uf, itf, Wu, bu, Wi, bi)


def _scale_from(parts_ref, floor=1.0):
  deg = jnp.maximum(jnp.sum(parts_ref[...], axis=0), floor)
  return lax.rsqrt(deg)


def _pad_rows(x):
  return jnp.concatenate([x, jnp.zeros((N_PAD - N_NODES, DIM), F32)], axis=0)


def _tc_prescale1(dout, ue, ie):
  def body(dout_r, ue_r, ie_r, ns_o):
    so = _scale_from(dout_r)
    nodes = jnp.concatenate([ue_r[...], ie_r[...]], axis=0)
    ns_o[...] = _pad_rows(nodes * so[:, None])

  return pl.pallas_call(body, out_shape=_sds((N_PAD, DIM)))(dout, ue, ie)


def _tc_combine1(parts, dout, din, ue, ie):
  nu = ue.shape[0]

  def body(p_r, dout_r, din_r, ue_r, ie_r, ue1_o, ie1_o, ns2_o):
    si = _scale_from(din_r)
    agg = (p_r[0] + p_r[1]) * si[:, None]
    ue1_o[...] = ue_r[...] + agg[:nu] * 0.5
    ie1_o[...] = ie_r[...] + agg[nu:] * 0.5
    so = _scale_from(dout_r)
    ns2_o[...] = _pad_rows(agg * so[:, None])

  return pl.pallas_call(
      body,
      out_shape=(_sds((nu, DIM)), _sds((N_NODES - nu, DIM)),
                 _sds((N_PAD, DIM))),
  )(parts, dout, din, ue, ie)


def _tc_combine2(parts, din, ue1, ie1, side):
  nu = ue1.shape[0]

  def body(p_r, din_r, ue_r, ie_r, side_r, ueo, ieo):
    si = _scale_from(din_r)
    agg = (p_r[0] + p_r[1]) * si[:, None]
    ueo[...] = ue_r[...] + agg[:nu] * (1.0 / 3.0)
    ieo[...] = ie_r[...] + agg[nu:] * (1.0 / 3.0) + side_r[...]

  return pl.pallas_call(
      body,
      out_shape=(_sds((nu, DIM)), _sds((N_NODES - nu, DIM))),
  )(parts, din, ue1, ie1, side)


def _tc_decoder(gathered, T_f, T_cf, W1, b1, W2):
  def body(g_r, tf_r, tcf_r, w1_r, b1_r, w2_r, lf_o, lcf_o):
    ue = g_r[0]
    z = jnp.concatenate([ue * g_r[1], ue * g_r[2]], axis=0)
    w1a = w1_r[:DIM, :]
    w1t = w1_r[DIM, :]
    base = jnp.dot(z, w1a, preferred_element_type=F32) + b1_r[...][None, :]
    for t_r, out in ((tf_r, lf_o), (tcf_r, lcf_o)):
      h = base + t_r[...][:, None] * w1t[None, :]
      h = jnp.where(h > 0, h, jnp.exp(jnp.minimum(h, 0.0)) - 1.0)
      out[...] = jnp.dot(h, w2_r[...], preferred_element_type=F32)[:, 0]

  return pl.pallas_call(
      body,
      out_shape=(_sds((2 * BDEC,)), _sds((2 * BDEC,))),
  )(gathered, T_f, T_cf, W1, b1, W2)


def kernel(user_features, item_features, item_side_feat, edge_index, userId,
           pos_itemId, neg_itemId, T_f, T_cf, Wu, bu, Wi, bi, W1, b1, W2):
  src = edge_index[0]
  dst = edge_index[1]

  def chunked(ids, pad_val):
    w = ids.reshape(NW, EPW)
    w = jnp.pad(w, ((0, 0), (0, EPP - EPW)), constant_values=pad_val)
    return w.reshape(-1)

  srcp = chunked(src, N_NODES)
  dstp = chunked(dst, 0)
  znode = jnp.zeros((N_NODES, DIM), F32)

  dout, din = _sc_degrees(src, dst)

  ue, ie = _tc_encoder(user_features, item_features, Wu, bu, Wi, bi)

  ns1 = _tc_prescale1(dout, ue, ie)
  parts1 = _sc_aggregate(ns1, srcp, dstp, znode)
  ue1, ie1, ns2 = _tc_combine1(parts1, dout, din, ue, ie)

  parts2 = _sc_aggregate(ns2, srcp, dstp, znode)
  user_embed, item_embed = _tc_combine2(parts2, din, ue1, ie1, item_side_feat)

  gathered = _sc_decoder_gather(user_embed, item_embed, userId, pos_itemId,
                                neg_itemId)
  logits_f, logits_cf = _tc_decoder(gathered, T_f, T_cf, W1, b1, W2)

  return (user_embed, item_embed, logits_f, logits_cf)

# --- scband reference (transcript-rebuilt; emitter-appended) ---
"""Pipeline reference for scband-msgcn-15375982920184 (READ-ONLY COPY).

The authoritative reference and input builder live on the scoring server;
editing this copy changes nothing except your own understanding.
"""

import jax, jax.numpy as jnp
import numpy as np

USER_NUM = 5000
ITEM_NUM = 5000
N_NODES = USER_NUM + ITEM_NUM
DIM = 128
HID = 128
E = 320000
B = 8192


def _gcn_layer(edge_index, u_f, v_f, n_nodes):
    src = edge_index[0]
    dst = edge_index[1]
    node_f = jnp.concatenate([u_f, v_f], axis=0)
    deg_out = jnp.maximum(jnp.bincount(src, length=n_nodes).astype(jnp.float32), 1.0)
    node_f = node_f * (deg_out ** -0.5)[:, None]
    agg = jax.ops.segment_sum(node_f[src], dst, num_segments=n_nodes)
    deg_in = jnp.maximum(jnp.bincount(dst, length=n_nodes).astype(jnp.float32), 1.0)
    return agg * (deg_in ** -0.5)[:, None]


def setup_inputs(seed: int = 0) -> dict:
    key = jax.random.key(seed)
    ks = jax.random.split(key, 20)
    inp = {}
    inp["user_features"] = jax.random.normal(ks[0], (USER_NUM, DIM), dtype=jnp.float32)
    inp["item_features"] = jax.random.normal(ks[1], (ITEM_NUM, DIM), dtype=jnp.float32)
    inp["item_side_feat"] = jax.random.normal(ks[2], (ITEM_NUM, HID), dtype=jnp.float32)
    inp["edge_index"] = jax.random.randint(ks[3], (2, E), 0, N_NODES, dtype=jnp.int32)
    inp["userId"] = jax.random.randint(ks[4], (B,), 0, USER_NUM, dtype=jnp.int32)
    inp["pos_itemId"] = jax.random.randint(ks[5], (B,), 0, ITEM_NUM, dtype=jnp.int32)
    inp["neg_itemId"] = jax.random.randint(ks[6], (B,), 0, ITEM_NUM, dtype=jnp.int32)
    inp["T_f"] = jax.random.uniform(ks[7], (2 * B,), dtype=jnp.float32)
    inp["T_cf"] = jax.random.uniform(ks[8], (2 * B,), dtype=jnp.float32)
    # learned parameters
    inp["Wu"] = jax.random.normal(ks[9], (DIM, HID), dtype=jnp.float32) * 0.05
    inp["bu"] = jnp.zeros((HID,), dtype=jnp.float32)
    inp["Wi"] = jax.random.normal(ks[10], (DIM, HID), dtype=jnp.float32) * 0.05
    inp["bi"] = jnp.zeros((HID,), dtype=jnp.float32)
    inp["W1"] = jax.random.normal(ks[11], (HID + 1, 64), dtype=jnp.float32) * 0.05
    inp["b1"] = jnp.zeros((64,), dtype=jnp.float32)
    inp["W2"] = jax.random.normal(ks[12], (64, 1), dtype=jnp.float32) * 0.05
    return inp


def reference(user_features, item_features, item_side_feat, edge_index, userId,
              pos_itemId, neg_itemId, T_f, T_cf, Wu, bu, Wi, bi, W1, b1, W2):
    userNum = user_features.shape[0]
    n_nodes = userNum + item_features.shape[0]
    # Encoder (dropout layers are identity in eval mode)
    user_embedding = jax.nn.relu(user_features @ Wu + bu)
    item_embedding = jax.nn.relu(item_features @ Wi + bi)
    embeddings = None
    for i in range(2):  # layer_num = 2
        if i == 0:
            embeddings = _gcn_layer(edge_index, user_embedding, item_embedding, n_nodes)
        else:
            embeddings = _gcn_layer(edge_index, embeddings[:userNum], embeddings[userNum:], n_nodes)
        item_embedding = item_embedding + embeddings[userNum:] * (1.0 / (i + 2))
        user_embedding = user_embedding + embeddings[:userNum] * (1.0 / (i + 2))
    item_embedding = item_embedding + item_side_feat
    user_embed, item_embed = user_embedding, item_embedding
    # Decoder ('hadamard')
    userEmbed = user_embed[userId]
    posEmbed = item_embed[pos_itemId]
    negEmbed = item_embed[neg_itemId]
    userEmbed = jnp.concatenate([userEmbed, userEmbed], axis=0)
    itemEmbed = jnp.concatenate([posEmbed, negEmbed], axis=0)

    def decoder(z_i, z_j, T):
        z = z_i * z_j
        h = jnp.concatenate([z, T.reshape(-1, 1)], axis=1)
        h = h.astype(jnp.float32)
        h = jax.nn.elu(h @ W1 + b1)
        return (h @ W2).squeeze()

    logits_f = decoder(userEmbed, itemEmbed, T_f)
    logits_cf = decoder(userEmbed, itemEmbed, T_cf)
    return (user_embed, item_embed, logits_f, logits_cf)

if __name__ == "__main__":
    import jax
    _d = setup_inputs()
    print(jax.jit(kernel)(*tuple(_d.values())))

</pallas_src>

<mosaic_0001>
#map = affine_map<(d0, d1) -> (0, 0)>
#map1 = affine_map<(d0, d1) -> (0)>
#map2 = affine_map<(d0, d1) -> (0, 0, 0)>
module attributes {stable_mosaic.version = 14 : i64} {
  func.func @gather_kernel(%arg0: i32, %arg1: i32, %arg2: memref<5000x128xf32, #tpu.memory_space<hbm>>, %arg3: memref<5000x128xf32, #tpu.memory_space<hbm>>, %arg4: memref<8192xi32, #tpu.memory_space<hbm>>, %arg5: memref<8192xi32, #tpu.memory_space<hbm>>, %arg6: memref<8192xi32, #tpu.memory_space<hbm>>, %arg7: memref<3x8192x128xf32, #tpu.memory_space<hbm>>, %arg8: memref<128xi32, #tpu.memory_space<vmem>>, %arg9: memref<128x128xf32, #tpu.memory_space<vmem>>, %arg10: memref<!tpu.dma_semaphore, #tpu.memory_space<semaphore_mem>>) attributes {dimension_semantics = [#tpu.dimension_semantics<core_parallel>, #tpu.dimension_semantics<subcore_parallel>], iteration_bounds = array<i64: 2, 16>, scalar_prefetch = 0 : i64, scratch_operands = 3 : i64, tpu.core_type = #tpu.core_type<sc_vector_subcore>, window_params = [{transform_indices = #map}, {transform_indices = #map}, {transform_indices = #map1}, {transform_indices = #map1}, {transform_indices = #map1}, {transform_indices = #map2}]} {
    %mul3A = arith.constant 2 : i32
    %mul3A_0 = arith.muli %arg1, %mul3A : i32
    %add3A = arith.addi %mul3A_0, %arg0 : i32
    %mul3A_1 = arith.constant 256 : i32
    %mul3A_2 = arith.muli %add3A, %mul3A_1 : i32
    %add3A_3 = arith.constant 0 : i32
    %add3A_4 = arith.addi %mul3A_2, %add3A_3 : i32
    "tpu.region"() ({
      %run_scoped3A_54 = tpu.sem_alloc : memref<!tpu.dma_semaphore, #tpu.memory_space<semaphore_mem>>
      %dma_start3A_55 = tpu.memref_slice %arg4[%add3A_4] : memref<8192xi32, #tpu.memory_space<hbm>> -> memref<128xi32, #tpu.memory_space<hbm>>
      %dma_start3A_56 = tpu.memref_slice %arg4[%add3A_4] : memref<8192xi32, #tpu.memory_space<hbm>> -> memref<128xi32, #tpu.memory_space<hbm>>
      tpu.enqueue_dma source(%dma_start3A_56 : memref<128xi32, #tpu.memory_space<hbm>>) target(%arg8 : memref<128xi32, #tpu.memory_space<vmem>>) target_semaphore(%run_scoped3A_54 : memref<!tpu.dma_semaphore, #tpu.memory_space<semaphore_mem>>)
      %dma_wait3A_57 = tpu.memref_slice %arg4[%add3A_4] : memref<8192xi32, #tpu.memory_space<hbm>> -> memref<128xi32, #tpu.memory_space<hbm>>
      %dma_wait3A_58 = tpu.memref_slice %arg4[%add3A_4] : memref<8192xi32, #tpu.memory_space<hbm>> -> memref<128xi32, #tpu.memory_space<hbm>>
      tpu.wait_dma2 semaphore(%run_scoped3A_54 : memref<!tpu.dma_semaphore, #tpu.memory_space<semaphore_mem>>) src(%dma_wait3A_58 : memref<128xi32, #tpu.memory_space<hbm>>) dst(%arg8 : memref<128xi32, #tpu.memory_space<vmem>>)
      tpu.yield
    }) : () -> ()
    %dma_start3A = arith.constant 0 : i32
    %dma_start3A_5 = arith.constant 0 : i32
    %dma_start3A_6 = tpu.memref_slice %arg2[%dma_start3A, %dma_start3A_5] : memref<5000x128xf32, #tpu.memory_space<hbm>> -> memref<5000x128xf32, #tpu.memory_space<hbm>>
    tpu.enqueue_indirect_dma source(%dma_start3A_6 : memref<5000x128xf32, #tpu.memory_space<hbm>>) target(%arg9 : memref<128x128xf32, #tpu.memory_space<vmem>>) offsets(%arg8 : memref<128xi32, #tpu.memory_space<vmem>>) semaphore(%arg10 : memref<!tpu.dma_semaphore, #tpu.memory_space<semaphore_mem>>)
    %dma_wait3A = arith.constant 0 : i32
    %dma_wait3A_7 = arith.constant 0 : i32
    %dma_wait3A_8 = tpu.memref_slice %arg2[%dma_wait3A, %dma_wait3A_7] : memref<5000x128xf32, #tpu.memory_space<hbm>> -> memref<5000x128xf32, #tpu.memory_space<hbm>>
    tpu.wait_indirect_dma semaphore(%arg10 : memref<!tpu.dma_semaphore, #tpu.memory_space<semaphore_mem>>) src(%dma_wait3A_8 : memref<5000x128xf32, #tpu.memory_space<hbm>>) dst(%arg9 : memref<128x128xf32, #tpu.memory_space<vmem>>)
    %run_scoped3A = arith.constant 0 : i32
    "tpu.region"() ({
      %run_scoped3A_54 = tpu.sem_alloc : memref<!tpu.dma_semaphore, #tpu.memory_space<semaphore_mem>>
      %dma_start3A_55 = arith.constant 0 : i32
      %dma_start3A_56 = tpu.memref_slice %arg7[%run_scoped3A, %add3A_4, %dma_start3A_55] : memref<3x8192x128xf32, #tpu.memory_space<hbm>> -> memref<1x128x128xf32, #tpu.memory_space<hbm>>
      %dma_start3A_57 = tpu.memref_squeeze %dma_start3A_56 : memref<1x128x128xf32, #tpu.memory_space<hbm>> -> memref<128x128xf32, #tpu.memory_space<hbm>>
      %dma_start3A_58 = arith.constant 0 : i32
      %dma_start3A_59 = tpu.memref_slice %arg7[%run_scoped3A, %add3A_4, %dma_start3A_58] : memref<3x8192x128xf32, #tpu.memory_space<hbm>> -> memref<1x128x128xf32, #tpu.memory_space<hbm>>
      %dma_start3A_60 = tpu.memref_squeeze %dma_start3A_59 : memref<1x128x128xf32, #tpu.memory_space<hbm>> -> memref<128x128xf32, #tpu.memory_space<hbm>>
      tpu.enqueue_dma source(%arg9 : memref<128x128xf32, #tpu.memory_space<vmem>>) target(%dma_start3A_60 : memref<128x128xf32, #tpu.memory_space<hbm>>) target_semaphore(%run_scoped3A_54 : memref<!tpu.dma_semaphore, #tpu.memory_space<semaphore_mem>>)
      %dma_wait3A_61 = arith.constant 0 : i32
      %dma_wait3A_62 = tpu.memref_slice %arg7[%run_scoped3A, %add3A_4, %dma_wait3A_61] : memref<3x8192x128xf32, #tpu.memory_space<hbm>> -> memref<1x128x128xf32, #tpu.memory_space<hbm>>
      %dma_wait3A_63 = tpu.memref_squeeze %dma_wait3A_62 : memref<1x128x128xf32, #tpu.memory_space<hbm>> -> memref<128x128xf32, #tpu.memory_space<hbm>>
      %dma_wait3A_64 = arith.constant 0 : i32
      %dma_wait3A_65 = tpu.memref_slice %arg7[%run_scoped3A, %add3A_4, %dma_wait3A_64] : memref<3x8192x128xf32, #tpu.memory_space<hbm>> -> memref<1x128x128xf32, #tpu.memory_space<hbm>>
      %dma_wait3A_66 = tpu.memref_squeeze %dma_wait3A_65 : memref<1x128x128xf32, #tpu.memory_space<hbm>> -> memref<128x128xf32, #tpu.memory_space<hbm>>
      tpu.wait_dma2 semaphore(%run_scoped3A_54 : memref<!tpu.dma_semaphore, #tpu.memory_space<semaphore_mem>>) src(%arg9 : memref<128x128xf32, #tpu.memory_space<vmem>>) dst(%dma_wait3A_66 : memref<128x128xf32, #tpu.memory_space<hbm>>)
      tpu.yield
    }) : () -> ()
    %add3A_9 = arith.constant 128 : i32
    %add3A_10 = arith.addi %mul3A_2, %add3A_9 : i32
    "tpu.region"() ({
      %run_scoped3A_54 = tpu.sem_alloc : memref<!tpu.dma_semaphore, #tpu.memory_space<semaphore_mem>>
      %dma_start3A_55 = tpu.memref_slice %arg4[%add3A_10] : memref<8192xi32, #tpu.memory_space<hbm>> -> memref<128xi32, #tpu.memory_space<hbm>>
      %dma_start3A_56 = tpu.memref_slice %arg4[%add3A_10] : memref<8192xi32, #tpu.memory_space<hbm>> -> memref<128xi32, #tpu.memory_space<hbm>>
      tpu.enqueue_dma source(%dma_start3A_56 : memref<128xi32, #tpu.memory_space<hbm>>) target(%arg8 : memref<128xi32, #tpu.memory_space<vmem>>) target_semaphore(%run_scoped3A_54 : memref<!tpu.dma_semaphore, #tpu.memory_space<semaphore_mem>>)
      %dma_wait3A_57 = tpu.memref_slice %arg4[%add3A_10] : memref<8192xi32, #tpu.memory_space<hbm>> -> memref<128xi32, #tpu.memory_space<hbm>>
      %dma_wait3A_58 = tpu.memref_slice %arg4[%add3A_10] : memref<8192xi32, #tpu.memory_space<hbm>> -> memref<128xi32, #tpu.memory_space<hbm>>
      tpu.wait_dma2 semaphore(%run_scoped3A_54 : memref<!tpu.dma_semaphore, #tpu.memory_space<semaphore_mem>>) src(%dma_wait3A_58 : memref<128xi32, #tpu.memory_space<hbm>>) dst(%arg8 : memref<128xi32, #tpu.memory_space<vmem>>)
      tpu.yield
    }) : () -> ()
    %dma_start3A_11 = arith.constant 0 : i32
    %dma_start3A_12 = arith.constant 0 : i32
    %dma_start3A_13 = tpu.memref_slice %arg2[%dma_start3A_11, %dma_start3A_12] : memref<5000x128xf32, #tpu.memory_space<hbm>> -> memref<5000x128xf32, #tpu.memory_space<hbm>>
    tpu.enqueue_indirect_dma source(%dma_start3A_13 : memref<5000x128xf32, #tpu.memory_space<hbm>>) target(%arg9 : memref<128x128xf32, #tpu.memory_space<vmem>>) offsets(%arg8 : memref<128xi32, #tpu.memory_space<vmem>>) semaphore(%arg10 : memref<!tpu.dma_semaphore, #tpu.memory_space<semaphore_mem>>)
    %dma_wait3A_14 = arith.constant 0 : i32
    %dma_wait3A_15 = arith.constant 0 : i32
    %dma_wait3A_16 = tpu.memref_slice %arg2[%dma_wait3A_14, %dma_wait3A_15] : memref<5000x128xf32, #tpu.memory_space<hbm>> -> memref<5000x128xf32, #tpu.memory_space<hbm>>
    tpu.wait_indirect_dma semaphore(%arg10 : memref<!tpu.dma_semaphore, #tpu.memory_space<semaphore_mem>>) src(%dma_wait3A_16 : memref<5000x128xf32, #tpu.memory_space<hbm>>) dst(%arg9 : memref<128x128xf32, #tpu.memory_space<vmem>>)
    %run_scoped3A_17 = arith.constant 0 : i32
    "tpu.region"() ({
      %run_scoped3A_54 = tpu.sem_alloc : memref<!tpu.dma_semaphore, #tpu.memory_space<semaphore_mem>>
      %dma_start3A_55 = arith.constant 0 : i32
      %dma_start3A_56 = tpu.memref_slice %arg7[%run_scoped3A_17, %add3A_10, %dma_start3A_55] : memref<3x8192x128xf32, #tpu.memory_space<hbm>> -> memref<1x128x128xf32, #tpu.memory_space<hbm>>
      %dma_start3A_57 = tpu.memref_squeeze %dma_start3A_56 : memref<1x128x128xf32, #tpu.memory_space<hbm>> -> memref<128x128xf32, #tpu.memory_space<hbm>>
      %dma_start3A_58 = arith.constant 0 : i32
      %dma_start3A_59 = tpu.memref_slice %arg7[%run_scoped3A_17, %add3A_10, %dma_start3A_58] : memref<3x8192x128xf32, #tpu.memory_space<hbm>> -> memref<1x128x128xf32, #tpu.memory_space<hbm>>
      %dma_start3A_60 = tpu.memref_squeeze %dma_start3A_59 : memref<1x128x128xf32, #tpu.memory_space<hbm>> -> memref<128x128xf32, #tpu.memory_space<hbm>>
      tpu.enqueue_dma source(%arg9 : memref<128x128xf32, #tpu.memory_space<vmem>>) target(%dma_start3A_60 : memref<128x128xf32, #tpu.memory_space<hbm>>) target_semaphore(%run_scoped3A_54 : memref<!tpu.dma_semaphore, #tpu.memory_space<semaphore_mem>>)
      %dma_wait3A_61 = arith.constant 0 : i32
      %dma_wait3A_62 = tpu.memref_slice %arg7[%run_scoped3A_17, %add3A_10, %dma_wait3A_61] : memref<3x8192x128xf32, #tpu.memory_space<hbm>> -> memref<1x128x128xf32, #tpu.memory_space<hbm>>
      %dma_wait3A_63 = tpu.memref_squeeze %dma_wait3A_62 : memref<1x128x128xf32, #tpu.memory_space<hbm>> -> memref<128x128xf32, #tpu.memory_space<hbm>>
      %dma_wait3A_64 = arith.constant 0 : i32
      %dma_wait3A_65 = tpu.memref_slice %arg7[%run_scoped3A_17, %add3A_10, %dma_wait3A_64] : memref<3x8192x128xf32, #tpu.memory_space<hbm>> -> memref<1x128x128xf32, #tpu.memory_space<hbm>>
      %dma_wait3A_66 = tpu.memref_squeeze %dma_wait3A_65 : memref<1x128x128xf32, #tpu.memory_space<hbm>> -> memref<128x128xf32, #tpu.memory_space<hbm>>
      tpu.wait_dma2 semaphore(%run_scoped3A_54 : memref<!tpu.dma_semaphore, #tpu.memory_space<semaphore_mem>>) src(%arg9 : memref<128x128xf32, #tpu.memory_space<vmem>>) dst(%dma_wait3A_66 : memref<128x128xf32, #tpu.memory_space<hbm>>)
      tpu.yield
    }) : () -> ()
    %add3A_18 = arith.constant 0 : i32
    %add3A_19 = arith.addi %mul3A_2, %add3A_18 : i32
    "tpu.region"() ({
      %run_scoped3A_54 = tpu.sem_alloc : memref<!tpu.dma_semaphore, #tpu.memory_space<semaphore_mem>>
      %dma_start3A_55 = tpu.memref_slice %arg5[%add3A_19] : memref<8192xi32, #tpu.memory_space<hbm>> -> memref<128xi32, #tpu.memory_space<hbm>>
      %dma_start3A_56 = tpu.memref_slice %arg5[%add3A_19] : memref<8192xi32, #tpu.memory_space<hbm>> -> memref<128xi32, #tpu.memory_space<hbm>>
      tpu.enqueue_dma source(%dma_start3A_56 : memref<128xi32, #tpu.memory_space<hbm>>) target(%arg8 : memref<128xi32, #tpu.memory_space<vmem>>) target_semaphore(%run_scoped3A_54 : memref<!tpu.dma_semaphore, #tpu.memory_space<semaphore_mem>>)
      %dma_wait3A_57 = tpu.memref_slice %arg5[%add3A_19] : memref<8192xi32, #tpu.memory_space<hbm>> -> memref<128xi32, #tpu.memory_space<hbm>>
      %dma_wait3A_58 = tpu.memref_slice %arg5[%add3A_19] : memref<8192xi32, #tpu.memory_space<hbm>> -> memref<128xi32, #tpu.memory_space<hbm>>
      tpu.wait_dma2 semaphore(%run_scoped3A_54 : memref<!tpu.dma_semaphore, #tpu.memory_space<semaphore_mem>>) src(%dma_wait3A_58 : memref<128xi32, #tpu.memory_space<hbm>>) dst(%arg8 : memref<128xi32, #tpu.memory_space<vmem>>)
      tpu.yield
    }) : () -> ()
    %dma_start3A_20 = arith.constant 0 : i32
    %dma_start3A_21 = arith.constant 0 : i32
    %dma_start3A_22 = tpu.memref_slice %arg3[%dma_start3A_20, %dma_start3A_21] : memref<5000x128xf32, #tpu.memory_space<hbm>> -> memref<5000x128xf32, #tpu.memory_space<hbm>>
    tpu.enqueue_indirect_dma source(%dma_start3A_22 : memref<5000x128xf32, #tpu.memory_space<hbm>>) target(%arg9 : memref<128x128xf32, #tpu.memory_space<vmem>>) offsets(%arg8 : memref<128xi32, #tpu.memory_space<vmem>>) semaphore(%arg10 : memref<!tpu.dma_semaphore, #tpu.memory_space<semaphore_mem>>)
    %dma_wait3A_23 = arith.constant 0 : i32
    %dma_wait3A_24 = arith.constant 0 : i32
    %dma_wait3A_25 = tpu.memref_slice %arg3[%dma_wait3A_23, %dma_wait3A_24] : memref<5000x128xf32, #tpu.memory_space<hbm>> -> memref<5000x128xf32, #tpu.memory_space<hbm>>
    tpu.wait_indirect_dma semaphore(%arg10 : memref<!tpu.dma_semaphore, #tpu.memory_space<semaphore_mem>>) src(%dma_wait3A_25 : memref<5000x128xf32, #tpu.memory_space<hbm>>) dst(%arg9 : memref<128x128xf32, #tpu.memory_space<vmem>>)
    %run_scoped3A_26 = arith.constant 1 : i32
    "tpu.region"() ({
      %run_scoped3A_54 = tpu.sem_alloc : memref<!tpu.dma_semaphore, #tpu.memory_space<semaphore_mem>>
      %dma_start3A_55 = arith.constant 0 : i32
      %dma_start3A_56 = tpu.memref_slice %arg7[%run_scoped3A_26, %add3A_19, %dma_start3A_55] : memref<3x8192x128xf32, #tpu.memory_space<hbm>> -> memref<1x128x128xf32, #tpu.memory_space<hbm>>
      %dma_start3A_57 = tpu.memref_squeeze %dma_start3A_56 : memref<1x128x128xf32, #tpu.memory_space<hbm>> -> memref<128x128xf32, #tpu.memory_space<hbm>>
      %dma_start3A_58 = arith.constant 0 : i32
      %dma_start3A_59 = tpu.memref_slice %arg7[%run_scoped3A_26, %add3A_19, %dma_start3A_58] : memref<3x8192x128xf32, #tpu.memory_space<hbm>> -> memref<1x128x128xf32, #tpu.memory_space<hbm>>
      %dma_start3A_60 = tpu.memref_squeeze %dma_start3A_59 : memref<1x128x128xf32, #tpu.memory_space<hbm>> -> memref<128x128xf32, #tpu.memory_space<hbm>>
      tpu.enqueue_dma source(%arg9 : memref<128x128xf32, #tpu.memory_space<vmem>>) target(%dma_start3A_60 : memref<128x128xf32, #tpu.memory_space<hbm>>) target_semaphore(%run_scoped3A_54 : memref<!tpu.dma_semaphore, #tpu.memory_space<semaphore_mem>>)
      %dma_wait3A_61 = arith.constant 0 : i32
      %dma_wait3A_62 = tpu.memref_slice %arg7[%run_scoped3A_26, %add3A_19, %dma_wait3A_61] : memref<3x8192x128xf32, #tpu.memory_space<hbm>> -> memref<1x128x128xf32, #tpu.memory_space<hbm>>
      %dma_wait3A_63 = tpu.memref_squeeze %dma_wait3A_62 : memref<1x128x128xf32, #tpu.memory_space<hbm>> -> memref<128x128xf32, #tpu.memory_space<hbm>>
      %dma_wait3A_64 = arith.constant 0 : i32
      %dma_wait3A_65 = tpu.memref_slice %arg7[%run_scoped3A_26, %add3A_19, %dma_wait3A_64] : memref<3x8192x128xf32, #tpu.memory_space<hbm>> -> memref<1x128x128xf32, #tpu.memory_space<hbm>>
      %dma_wait3A_66 = tpu.memref_squeeze %dma_wait3A_65 : memref<1x128x128xf32, #tpu.memory_space<hbm>> -> memref<128x128xf32, #tpu.memory_space<hbm>>
      tpu.wait_dma2 semaphore(%run_scoped3A_54 : memref<!tpu.dma_semaphore, #tpu.memory_space<semaphore_mem>>) src(%arg9 : memref<128x128xf32, #tpu.memory_space<vmem>>) dst(%dma_wait3A_66 : memref<128x128xf32, #tpu.memory_space<hbm>>)
      tpu.yield
    }) : () -> ()
    %add3A_27 = arith.constant 128 : i32
    %add3A_28 = arith.addi %mul3A_2, %add3A_27 : i32
    "tpu.region"() ({
      %run_scoped3A_54 = tpu.sem_alloc : memref<!tpu.dma_semaphore, #tpu.memory_space<semaphore_mem>>
      %dma_start3A_55 = tpu.memref_slice %arg5[%add3A_28] : memref<8192xi32, #tpu.memory_space<hbm>> -> memref<128xi32, #tpu.memory_space<hbm>>
      %dma_start3A_56 = tpu.memref_slice %arg5[%add3A_28] : memref<8192xi32, #tpu.memory_space<hbm>> -> memref<128xi32, #tpu.memory_space<hbm>>
      tpu.enqueue_dma source(%dma_start3A_56 : memref<128xi32, #tpu.memory_space<hbm>>) target(%arg8 : memref<128xi32, #tpu.memory_space<vmem>>) target_semaphore(%run_scoped3A_54 : memref<!tpu.dma_semaphore, #tpu.memory_space<semaphore_mem>>)
      %dma_wait3A_57 = tpu.memref_slice %arg5[%add3A_28] : memref<8192xi32, #tpu.memory_space<hbm>> -> memref<128xi32, #tpu.memory_space<hbm>>
      %dma_wait3A_58 = tpu.memref_slice %arg5[%add3A_28] : memref<8192xi32, #tpu.memory_space<hbm>> -> memref<128xi32, #tpu.memory_space<hbm>>
      tpu.wait_dma2 semaphore(%run_scoped3A_54 : memref<!tpu.dma_semaphore, #tpu.memory_space<semaphore_mem>>) src(%dma_wait3A_58 : memref<128xi32, #tpu.memory_space<hbm>>) dst(%arg8 : memref<128xi32, #tpu.memory_space<vmem>>)
      tpu.yield
    }) : () -> ()
    %dma_start3A_29 = arith.constant 0 : i32
    %dma_start3A_30 = arith.constant 0 : i32
    %dma_start3A_31 = tpu.memref_slice %arg3[%dma_start3A_29, %dma_start3A_30] : memref<5000x128xf32, #tpu.memory_space<hbm>> -> memref<5000x128xf32, #tpu.memory_space<hbm>>
    tpu.enqueue_indirect_dma source(%dma_start3A_31 : memref<5000x128xf32, #tpu.memory_space<hbm>>) target(%arg9 : memref<128x128xf32, #tpu.memory_space<vmem>>) offsets(%arg8 : memref<128xi32, #tpu.memory_space<vmem>>) semaphore(%arg10 : memref<!tpu.dma_semaphore, #tpu.memory_space<semaphore_mem>>)
    %dma_wait3A_32 = arith.constant 0 : i32
    %dma_wait3A_33 = arith.constant 0 : i32
    %dma_wait3A_34 = tpu.memref_slice %arg3[%dma_wait3A_32, %dma_wait3A_33] : memref<5000x128xf32, #tpu.memory_space<hbm>> -> memref<5000x128xf32, #tpu.memory_space<hbm>>
    tpu.wait_indirect_dma semaphore(%arg10 : memref<!tpu.dma_semaphore, #tpu.memory_space<semaphore_mem>>) src(%dma_wait3A_34 : memref<5000x128xf32, #tpu.memory_space<hbm>>) dst(%arg9 : memref<128x128xf32, #tpu.memory_space<vmem>>)
    %run_scoped3A_35 = arith.constant 1 : i32
    "tpu.region"() ({
      %run_scoped3A_54 = tpu.sem_alloc : memref<!tpu.dma_semaphore, #tpu.memory_space<semaphore_mem>>
      %dma_start3A_55 = arith.constant 0 : i32
      %dma_start3A_56 = tpu.memref_slice %arg7[%run_scoped3A_35, %add3A_28, %dma_start3A_55] : memref<3x8192x128xf32, #tpu.memory_space<hbm>> -> memref<1x128x128xf32, #tpu.memory_space<hbm>>
      %dma_start3A_57 = tpu.memref_squeeze %dma_start3A_56 : memref<1x128x128xf32, #tpu.memory_space<hbm>> -> memref<128x128xf32, #tpu.memory_space<hbm>>
      %dma_start3A_58 = arith.constant 0 : i32
      %dma_start3A_59 = tpu.memref_slice %arg7[%run_scoped3A_35, %add3A_28, %dma_start3A_58] : memref<3x8192x128xf32, #tpu.memory_space<hbm>> -> memref<1x128x128xf32, #tpu.memory_space<hbm>>
      %dma_start3A_60 = tpu.memref_squeeze %dma_start3A_59 : memref<1x128x128xf32, #tpu.memory_space<hbm>> -> memref<128x128xf32, #tpu.memory_space<hbm>>
      tpu.enqueue_dma source(%arg9 : memref<128x128xf32, #tpu.memory_space<vmem>>) target(%dma_start3A_60 : memref<128x128xf32, #tpu.memory_space<hbm>>) target_semaphore(%run_scoped3A_54 : memref<!tpu.dma_semaphore, #tpu.memory_space<semaphore_mem>>)
      %dma_wait3A_61 = arith.constant 0 : i32
      %dma_wait3A_62 = tpu.memref_slice %arg7[%run_scoped3A_35, %add3A_28, %dma_wait3A_61] : memref<3x8192x128xf32, #tpu.memory_space<hbm>> -> memref<1x128x128xf32, #tpu.memory_space<hbm>>
      %dma_wait3A_63 = tpu.memref_squeeze %dma_wait3A_62 : memref<1x128x128xf32, #tpu.memory_space<hbm>> -> memref<128x128xf32, #tpu.memory_space<hbm>>
      %dma_wait3A_64 = arith.constant 0 : i32
      %dma_wait3A_65 = tpu.memref_slice %arg7[%run_scoped3A_35, %add3A_28, %dma_wait3A_64] : memref<3x8192x128xf32, #tpu.memory_space<hbm>> -> memref<1x128x128xf32, #tpu.memory_space<hbm>>
      %dma_wait3A_66 = tpu.memref_squeeze %dma_wait3A_65 : memref<1x128x128xf32, #tpu.memory_space<hbm>> -> memref<128x128xf32, #tpu.memory_space<hbm>>
      tpu.wait_dma2 semaphore(%run_scoped3A_54 : memref<!tpu.dma_semaphore, #tpu.memory_space<semaphore_mem>>) src(%arg9 : memref<128x128xf32, #tpu.memory_space<vmem>>) dst(%dma_wait3A_66 : memref<128x128xf32, #tpu.memory_space<hbm>>)
      tpu.yield
    }) : () -> ()
    %add3A_36 = arith.constant 0 : i32
    %add3A_37 = arith.addi %mul3A_2, %add3A_36 : i32
    "tpu.region"() ({
      %run_scoped3A_54 = tpu.sem_alloc : memref<!tpu.dma_semaphore, #tpu.memory_space<semaphore_mem>>
      %dma_start3A_55 = tpu.memref_slice %arg6[%add3A_37] : memref<8192xi32, #tpu.memory_space<hbm>> -> memref<128xi32, #tpu.memory_space<hbm>>
      %dma_start3A_56 = tpu.memref_slice %arg6[%add3A_37] : memref<8192xi32, #tpu.memory_space<hbm>> -> memref<128xi32, #tpu.memory_space<hbm>>
      tpu.enqueue_dma source(%dma_start3A_56 : memref<128xi32, #tpu.memory_space<hbm>>) target(%arg8 : memref<128xi32, #tpu.memory_space<vmem>>) target_semaphore(%run_scoped3A_54 : memref<!tpu.dma_semaphore, #tpu.memory_space<semaphore_mem>>)
      %dma_wait3A_57 = tpu.memref_slice %arg6[%add3A_37] : memref<8192xi32, #tpu.memory_space<hbm>> -> memref<128xi32, #tpu.memory_space<hbm>>
      %dma_wait3A_58 = tpu.memref_slice %arg6[%add3A_37] : memref<8192xi32, #tpu.memory_space<hbm>> -> memref<128xi32, #tpu.memory_space<hbm>>
      tpu.wait_dma2 semaphore(%run_scoped3A_54 : memref<!tpu.dma_semaphore, #tpu.memory_space<semaphore_mem>>) src(%dma_wait3A_58 : memref<128xi32, #tpu.memory_space<hbm>>) dst(%arg8 : memref<128xi32, #tpu.memory_space<vmem>>)
      tpu.yield
    }) : () -> ()
    %dma_start3A_38 = arith.constant 0 : i32
    %dma_start3A_39 = arith.constant 0 : i32
    %dma_start3A_40 = tpu.memref_slice %arg3[%dma_start3A_38, %dma_start3A_39] : memref<5000x128xf32, #tpu.memory_space<hbm>> -> memref<5000x128xf32, #tpu.memory_space<hbm>>
    tpu.enqueue_indirect_dma source(%dma_start3A_40 : memref<5000x128xf32, #tpu.memory_space<hbm>>) target(%arg9 : memref<128x128xf32, #tpu.memory_space<vmem>>) offsets(%arg8 : memref<128xi32, #tpu.memory_space<vmem>>) semaphore(%arg10 : memref<!tpu.dma_semaphore, #tpu.memory_space<semaphore_mem>>)
    %dma_wait3A_41 = arith.constant 0 : i32
    %dma_wait3A_42 = arith.constant 0 : i32
    %dma_wait3A_43 = tpu.memref_slice %arg3[%dma_wait3A_41, %dma_wait3A_42] : memref<5000x128xf32, #tpu.memory_space<hbm>> -> memref<5000x128xf32, #tpu.memory_space<hbm>>
    tpu.wait_indirect_dma semaphore(%arg10 : memref<!tpu.dma_semaphore, #tpu.memory_space<semaphore_mem>>) src(%dma_wait3A_43 : memref<5000x128xf32, #tpu.memory_space<hbm>>) dst(%arg9 : memref<128x128xf32, #tpu.memory_space<vmem>>)
    %run_scoped3A_44 = arith.constant 2 : i32
    "tpu.region"() ({
      %run_scoped3A_54 = tpu.sem_alloc : memref<!tpu.dma_semaphore, #tpu.memory_space<semaphore_mem>>
      %dma_start3A_55 = arith.constant 0 : i32
      %dma_start3A_56 = tpu.memref_slice %arg7[%run_scoped3A_44, %add3A_37, %dma_start3A_55] : memref<3x8192x128xf32, #tpu.memory_space<hbm>> -> memref<1x128x128xf32, #tpu.memory_space<hbm>>
      %dma_start3A_57 = tpu.memref_squeeze %dma_start3A_56 : memref<1x128x128xf32, #tpu.memory_space<hbm>> -> memref<128x128xf32, #tpu.memory_space<hbm>>
      %dma_start3A_58 = arith.constant 0 : i32
      %dma_start3A_59 = tpu.memref_slice %arg7[%run_scoped3A_44, %add3A_37, %dma_start3A_58] : memref<3x8192x128xf32, #tpu.memory_space<hbm>> -> memref<1x128x128xf32, #tpu.memory_space<hbm>>
      %dma_start3A_60 = tpu.memref_squeeze %dma_start3A_59 : memref<1x128x128xf32, #tpu.memory_space<hbm>> -> memref<128x128xf32, #tpu.memory_space<hbm>>
      tpu.enqueue_dma source(%arg9 : memref<128x128xf32, #tpu.memory_space<vmem>>) target(%dma_start3A_60 : memref<128x128xf32, #tpu.memory_space<hbm>>) target_semaphore(%run_scoped3A_54 : memref<!tpu.dma_semaphore, #tpu.memory_space<semaphore_mem>>)
      %dma_wait3A_61 = arith.constant 0 : i32
      %dma_wait3A_62 = tpu.memref_slice %arg7[%run_scoped3A_44, %add3A_37, %dma_wait3A_61] : memref<3x8192x128xf32, #tpu.memory_space<hbm>> -> memref<1x128x128xf32, #tpu.memory_space<hbm>>
      %dma_wait3A_63 = tpu.memref_squeeze %dma_wait3A_62 : memref<1x128x128xf32, #tpu.memory_space<hbm>> -> memref<128x128xf32, #tpu.memory_space<hbm>>
      %dma_wait3A_64 = arith.constant 0 : i32
      %dma_wait3A_65 = tpu.memref_slice %arg7[%run_scoped3A_44, %add3A_37, %dma_wait3A_64] : memref<3x8192x128xf32, #tpu.memory_space<hbm>> -> memref<1x128x128xf32, #tpu.memory_space<hbm>>
      %dma_wait3A_66 = tpu.memref_squeeze %dma_wait3A_65 : memref<1x128x128xf32, #tpu.memory_space<hbm>> -> memref<128x128xf32, #tpu.memory_space<hbm>>
      tpu.wait_dma2 semaphore(%run_scoped3A_54 : memref<!tpu.dma_semaphore, #tpu.memory_space<semaphore_mem>>) src(%arg9 : memref<128x128xf32, #tpu.memory_space<vmem>>) dst(%dma_wait3A_66 : memref<128x128xf32, #tpu.memory_space<hbm>>)
      tpu.yield
    }) : () -> ()
    %add3A_45 = arith.constant 128 : i32
    %add3A_46 = arith.addi %mul3A_2, %add3A_45 : i32
    "tpu.region"() ({
      %run_scoped3A_54 = tpu.sem_alloc : memref<!tpu.dma_semaphore, #tpu.memory_space<semaphore_mem>>
      %dma_start3A_55 = tpu.memref_slice %arg6[%add3A_46] : memref<8192xi32, #tpu.memory_space<hbm>> -> memref<128xi32, #tpu.memory_space<hbm>>
      %dma_start3A_56 = tpu.memref_slice %arg6[%add3A_46] : memref<8192xi32, #tpu.memory_space<hbm>> -> memref<128xi32, #tpu.memory_space<hbm>>
      tpu.enqueue_dma source(%dma_start3A_56 : memref<128xi32, #tpu.memory_space<hbm>>) target(%arg8 : memref<128xi32, #tpu.memory_space<vmem>>) target_semaphore(%run_scoped3A_54 : memref<!tpu.dma_semaphore, #tpu.memory_space<semaphore_mem>>)
      %dma_wait3A_57 = tpu.memref_slice %arg6[%add3A_46] : memref<8192xi32, #tpu.memory_space<hbm>> -> memref<128xi32, #tpu.memory_space<hbm>>
      %dma_wait3A_58 = tpu.memref_slice %arg6[%add3A_46] : memref<8192xi32, #tpu.memory_space<hbm>> -> memref<128xi32, #tpu.memory_space<hbm>>
      tpu.wait_dma2 semaphore(%run_scoped3A_54 : memref<!tpu.dma_semaphore, #tpu.memory_space<semaphore_mem>>) src(%dma_wait3A_58 : memref<128xi32, #tpu.memory_space<hbm>>) dst(%arg8 : memref<128xi32, #tpu.memory_space<vmem>>)
      tpu.yield
    }) : () -> ()
    %dma_start3A_47 = arith.constant 0 : i32
    %dma_start3A_48 = arith.constant 0 : i32
    %dma_start3A_49 = tpu.memref_slice %arg3[%dma_start3A_47, %dma_start3A_48] : memref<5000x128xf32, #tpu.memory_space<hbm>> -> memref<5000x128xf32, #tpu.memory_space<hbm>>
    tpu.enqueue_indirect_dma source(%dma_start3A_49 : memref<5000x128xf32, #tpu.memory_space<hbm>>) target(%arg9 : memref<128x128xf32, #tpu.memory_space<vmem>>) offsets(%arg8 : memref<128xi32, #tpu.memory_space<vmem>>) semaphore(%arg10 : memref<!tpu.dma_semaphore, #tpu.memory_space<semaphore_mem>>)
    %dma_wait3A_50 = arith.constant 0 : i32
    %dma_wait3A_51 = arith.constant 0 : i32
    %dma_wait3A_52 = tpu.memref_slice %arg3[%dma_wait3A_50, %dma_wait3A_51] : memref<5000x128xf32, #tpu.memory_space<hbm>> -> memref<5000x128xf32, #tpu.memory_space<hbm>>
    tpu.wait_indirect_dma semaphore(%arg10 : memref<!tpu.dma_semaphore, #tpu.memory_space<semaphore_mem>>) src(%dma_wait3A_52 : memref<5000x128xf32, #tpu.memory_space<hbm>>) dst(%arg9 : memref<128x128xf32, #tpu.memory_space<vmem>>)
    %run_scoped3A_53 = arith.constant 2 : i32
    "tpu.region"() ({
      %run_scoped3A_54 = tpu.sem_alloc : memref<!tpu.dma_semaphore, #tpu.memory_space<semaphore_mem>>
      %dma_start3A_55 = arith.constant 0 : i32
      %dma_start3A_56 = tpu.memref_slice %arg7[%run_scoped3A_53, %add3A_46, %dma_start3A_55] : memref<3x8192x128xf32, #tpu.memory_space<hbm>> -> memref<1x128x128xf32, #tpu.memory_space<hbm>>
      %dma_start3A_57 = tpu.memref_squeeze %dma_start3A_56 : memref<1x128x128xf32, #tpu.memory_space<hbm>> -> memref<128x128xf32, #tpu.memory_space<hbm>>
      %dma_start3A_58 = arith.constant 0 : i32
      %dma_start3A_59 = tpu.memref_slice %arg7[%run_scoped3A_53, %add3A_46, %dma_start3A_58] : memref<3x8192x128xf32, #tpu.memory_space<hbm>> -> memref<1x128x128xf32, #tpu.memory_space<hbm>>
      %dma_start3A_60 = tpu.memref_squeeze %dma_start3A_59 : memref<1x128x128xf32, #tpu.memory_space<hbm>> -> memref<128x128xf32, #tpu.memory_space<hbm>>
      tpu.enqueue_dma source(%arg9 : memref<128x128xf32, #tpu.memory_space<vmem>>) target(%dma_start3A_60 : memref<128x128xf32, #tpu.memory_space<hbm>>) target_semaphore(%run_scoped3A_54 : memref<!tpu.dma_semaphore, #tpu.memory_space<semaphore_mem>>)
      %dma_wait3A_61 = arith.constant 0 : i32
      %dma_wait3A_62 = tpu.memref_slice %arg7[%run_scoped3A_53, %add3A_46, %dma_wait3A_61] : memref<3x8192x128xf32, #tpu.memory_space<hbm>> -> memref<1x128x128xf32, #tpu.memory_space<hbm>>
      %dma_wait3A_63 = tpu.memref_squeeze %dma_wait3A_62 : memref<1x128x128xf32, #tpu.memory_space<hbm>> -> memref<128x128xf32, #tpu.memory_space<hbm>>
      %dma_wait3A_64 = arith.constant 0 : i32
      %dma_wait3A_65 = tpu.memref_slice %arg7[%run_scoped3A_53, %add3A_46, %dma_wait3A_64] : memref<3x8192x128xf32, #tpu.memory_space<hbm>> -> memref<1x128x128xf32, #tpu.memory_space<hbm>>
      %dma_wait3A_66 = tpu.memref_squeeze %dma_wait3A_65 : memref<1x128x128xf32, #tpu.memory_space<hbm>> -> memref<128x128xf32, #tpu.memory_space<hbm>>
      tpu.wait_dma2 semaphore(%run_scoped3A_54 : memref<!tpu.dma_semaphore, #tpu.memory_space<semaphore_mem>>) src(%arg9 : memref<128x128xf32, #tpu.memory_space<vmem>>) dst(%dma_wait3A_66 : memref<128x128xf32, #tpu.memory_space<hbm>>)
      tpu.yield
    }) : () -> ()
    return
  }
}

#map = affine_map<(d0, d1) -> (0)>
#map1 = affine_map<(d0, d1) -> (0, 0)>
module attributes {stable_mosaic.version = 14 : i64} {
  func.func @deg_kernel(%arg0: i32, %arg1: i32, %arg2: memref<320000xi32, #tpu.memory_space<hbm>>, %arg3: memref<320000xi32, #tpu.memory_space<hbm>>, %arg4: memref<32x10000xf32, #tpu.memory_space<hbm>>, %arg5: memref<32x10000xf32, #tpu.memory_space<hbm>>, %arg6: memref<10000xi32, #tpu.memory_space<vmem>>, %arg7: memref<10000xi32, #tpu.memory_space<vmem>>, %arg8: memref<10000xf32, #tpu.memory_space<vmem>>, %arg9: memref<10000xf32, #tpu.memory_space<vmem>>) attributes {dimension_semantics = [#tpu.dimension_semantics<core_parallel>, #tpu.dimension_semantics<subcore_parallel>], iteration_bounds = array<i64: 2, 16>, scalar_prefetch = 0 : i64, scratch_operands = 4 : i64, tpu.core_type = #tpu.core_type<sc_vector_subcore>, window_params = [{transform_indices = #map}, {transform_indices = #map}, {transform_indices = #map1}, {transform_indices = #map1}]} {
    %mul3A = arith.constant 2 : i32
    %mul3A_0 = arith.muli %arg1, %mul3A : i32
    %add3A = arith.addi %mul3A_0, %arg0 : i32
    %mul3A_1 = arith.constant 10000 : i32
    %mul3A_2 = arith.muli %add3A, %mul3A_1 : i32
    "tpu.region"() ({
      %run_scoped3A = tpu.sem_alloc : memref<!tpu.dma_semaphore, #tpu.memory_space<semaphore_mem>>
      %dma_start3A = tpu.memref_slice %arg2[%mul3A_2] : memref<320000xi32, #tpu.memory_space<hbm>> -> memref<10000xi32, #tpu.memory_space<hbm>>
      %dma_start3A_17 = tpu.memref_slice %arg2[%mul3A_2] : memref<320000xi32, #tpu.memory_space<hbm>> -> memref<10000xi32, #tpu.memory_space<hbm>>
      tpu.enqueue_dma source(%dma_start3A_17 : memref<10000xi32, #tpu.memory_space<hbm>>) target(%arg6 : memref<10000xi32, #tpu.memory_space<vmem>>) target_semaphore(%run_scoped3A : memref<!tpu.dma_semaphore, #tpu.memory_space<semaphore_mem>>)
      %dma_wait3A = tpu.memref_slice %arg2[%mul3A_2] : memref<320000xi32, #tpu.memory_space<hbm>> -> memref<10000xi32, #tpu.memory_space<hbm>>
      %dma_wait3A_18 = tpu.memref_slice %arg2[%mul3A_2] : memref<320000xi32, #tpu.memory_space<hbm>> -> memref<10000xi32, #tpu.memory_space<hbm>>
      tpu.wait_dma2 semaphore(%run_scoped3A : memref<!tpu.dma_semaphore, #tpu.memory_space<semaphore_mem>>) src(%dma_wait3A_18 : memref<10000xi32, #tpu.memory_space<hbm>>) dst(%arg6 : memref<10000xi32, #tpu.memory_space<vmem>>)
      tpu.yield
    }) : () -> ()
    %mul3A_3 = arith.constant 10000 : i32
    %mul3A_4 = arith.muli %add3A, %mul3A_3 : i32
    "tpu.region"() ({
      %run_scoped3A = tpu.sem_alloc : memref<!tpu.dma_semaphore, #tpu.memory_space<semaphore_mem>>
      %dma_start3A = tpu.memref_slice %arg3[%mul3A_4] : memref<320000xi32, #tpu.memory_space<hbm>> -> memref<10000xi32, #tpu.memory_space<hbm>>
      %dma_start3A_17 = tpu.memref_slice %arg3[%mul3A_4] : memref<320000xi32, #tpu.memory_space<hbm>> -> memref<10000xi32, #tpu.memory_space<hbm>>
      tpu.enqueue_dma source(%dma_start3A_17 : memref<10000xi32, #tpu.memory_space<hbm>>) target(%arg7 : memref<10000xi32, #tpu.memory_space<vmem>>) target_semaphore(%run_scoped3A : memref<!tpu.dma_semaphore, #tpu.memory_space<semaphore_mem>>)
      %dma_wait3A = tpu.memref_slice %arg3[%mul3A_4] : memref<320000xi32, #tpu.memory_space<hbm>> -> memref<10000xi32, #tpu.memory_space<hbm>>
      %dma_wait3A_18 = tpu.memref_slice %arg3[%mul3A_4] : memref<320000xi32, #tpu.memory_space<hbm>> -> memref<10000xi32, #tpu.memory_space<hbm>>
      tpu.wait_dma2 semaphore(%run_scoped3A : memref<!tpu.dma_semaphore, #tpu.memory_space<semaphore_mem>>) src(%dma_wait3A_18 : memref<10000xi32, #tpu.memory_space<hbm>>) dst(%arg7 : memref<10000xi32, #tpu.memory_space<vmem>>)
      tpu.yield
    }) : () -> ()
    %broadcast_in_dim3A = arith.constant 0.000000e+00 : f32
    %broadcast_in_dim3A_5 = vector.broadcast %broadcast_in_dim3A : f32 to vector<16xf32>
    %scan3A = arith.constant 0 : i32
    %scan3A_6 = arith.constant 625 : i32
    %scan3A_7 = arith.addi %scan3A, %scan3A_6 : i32
    %scan3A_8 = arith.constant 1 : i32
    scf.for %scan3A_17 = %scan3A to %scan3A_7 step %scan3A_8  : i32 {
      %mul3A_18 = arith.constant 16 : i32
      %mul3A_19 = arith.muli %scan3A_17, %mul3A_18 : i32
      %swap3A = arith.index_cast %mul3A_19 : i32 to index
      %swap3A_20 = tpu.vector_load %arg8[%swap3A] {strides = array<i32>} : memref<10000xf32, #tpu.memory_space<vmem>>, vector<16xf32>,
      tpu.vector_store %arg8[%swap3A], %broadcast_in_dim3A_5 {strides = array<i32>} : memref<10000xf32, #tpu.memory_space<vmem>>, vector<16xf32>,
      %mul3A_21 = arith.constant 16 : i32
      %mul3A_22 = arith.muli %scan3A_17, %mul3A_21 : i32
      %swap3A_23 = arith.index_cast %mul3A_22 : i32 to index
      %swap3A_24 = tpu.vector_load %arg9[%swap3A_23] {strides = array<i32>} : memref<10000xf32, #tpu.memory_space<vmem>>, vector<16xf32>,
      tpu.vector_store %arg9[%swap3A_23], %broadcast_in_dim3A_5 {strides = array<i32>} : memref<10000xf32, #tpu.memory_space<vmem>>, vector<16xf32>,
    }
    %scan3A_9 = arith.constant 625 : i32
    %broadcast_in_dim3A_10 = arith.constant 1.000000e+00 : f32
    %broadcast_in_dim3A_11 = vector.broadcast %broadcast_in_dim3A_10 : f32 to vector<16xf32>
    %scan3A_12 = arith.constant 0 : i32
    %scan3A_13 = arith.constant 625 : i32
    %scan3A_14 = arith.addi %scan3A_12, %scan3A_13 : i32
    %scan3A_15 = arith.constant 1 : i32
    scf.for %scan3A_17 = %scan3A_12 to %scan3A_14 step %scan3A_15  : i32 {
      %mul3A_18 = arith.constant 16 : i32
      %mul3A_19 = arith.muli %scan3A_17, %mul3A_18 : i32
      %get3A = arith.index_cast %mul3A_19 : i32 to index
      %get3A_20 = tpu.vector_load %arg6[%get3A] {strides = array<i32>} : memref<10000xi32, #tpu.memory_space<vmem>>, vector<16xi32>,
      tpu.vector_store_idx %arg8[%get3A_20], %broadcast_in_dim3A_11 {add = true} : memref<10000xf32, #tpu.memory_space<vmem>>[vector<16xi32>], vector<16xf32>,
      %mul3A_21 = arith.constant 16 : i32
      %mul3A_22 = arith.muli %scan3A_17, %mul3A_21 : i32
      %get3A_23 = arith.index_cast %mul3A_22 : i32 to index
      %get3A_24 = tpu.vector_load %arg7[%get3A_23] {strides = array<i32>} : memref<10000xi32, #tpu.memory_space<vmem>>, vector<16xi32>,
      tpu.vector_store_idx %arg9[%get3A_24], %broadcast_in_dim3A_11 {add = true} : memref<10000xf32, #tpu.memory_space<vmem>>[vector<16xi32>], vector<16xf32>,
    }
    %scan3A_16 = arith.constant 625 : i32
    "tpu.region"() ({
      %run_scoped3A = tpu.sem_alloc : memref<!tpu.dma_semaphore, #tpu.memory_space<semaphore_mem>>
      %dma_start3A = arith.constant 0 : i32
      %dma_start3A_17 = tpu.memref_slice %arg4[%add3A, %dma_start3A] : memref<32x10000xf32, #tpu.memory_space<hbm>> -> memref<1x10000xf32, #tpu.memory_space<hbm>>
      %dma_start3A_18 = tpu.memref_squeeze %dma_start3A_17 : memref<1x10000xf32, #tpu.memory_space<hbm>> -> memref<10000xf32, #tpu.memory_space<hbm>>
      %dma_start3A_19 = arith.constant 0 : i32
      %dma_start3A_20 = tpu.memref_slice %arg4[%add3A, %dma_start3A_19] : memref<32x10000xf32, #tpu.memory_space<hbm>> -> memref<1x10000xf32, #tpu.memory_space<hbm>>
      %dma_start3A_21 = tpu.memref_squeeze %dma_start3A_20 : memref<1x10000xf32, #tpu.memory_space<hbm>> -> memref<10000xf32, #tpu.memory_space<hbm>>
      tpu.enqueue_dma source(%arg8 : memref<10000xf32, #tpu.memory_space<vmem>>) target(%dma_start3A_21 : memref<10000xf32, #tpu.memory_space<hbm>>) target_semaphore(%run_scoped3A : memref<!tpu.dma_semaphore, #tpu.memory_space<semaphore_mem>>)
      %dma_wait3A = arith.constant 0 : i32
      %dma_wait3A_22 = tpu.memref_slice %arg4[%add3A, %dma_wait3A] : memref<32x10000xf32, #tpu.memory_space<hbm>> -> memref<1x10000xf32, #tpu.memory_space<hbm>>
      %dma_wait3A_23 = tpu.memref_squeeze %dma_wait3A_22 : memref<1x10000xf32, #tpu.memory_space<hbm>> -> memref<10000xf32, #tpu.memory_space<hbm>>
      %dma_wait3A_24 = arith.constant 0 : i32
      %dma_wait3A_25 = tpu.memref_slice %arg4[%add3A, %dma_wait3A_24] : memref<32x10000xf32, #tpu.memory_space<hbm>> -> memref<1x10000xf32, #tpu.memory_space<hbm>>
      %dma_wait3A_26 = tpu.memref_squeeze %dma_wait3A_25 : memref<1x10000xf32, #tpu.memory_space<hbm>> -> memref<10000xf32, #tpu.memory_space<hbm>>
      tpu.wait_dma2 semaphore(%run_scoped3A : memref<!tpu.dma_semaphore, #tpu.memory_space<semaphore_mem>>) src(%arg8 : memref<10000xf32, #tpu.memory_space<vmem>>) dst(%dma_wait3A_26 : memref<10000xf32, #tpu.memory_space<hbm>>)
      tpu.yield
    }) : () -> ()
    "tpu.region"() ({
      %run_scoped3A = tpu.sem_alloc : memref<!tpu.dma_semaphore, #tpu.memory_space<semaphore_mem>>
      %dma_start3A = arith.constant 0 : i32
      %dma_start3A_17 = tpu.memref_slice %arg5[%add3A, %dma_start3A] : memref<32x10000xf32, #tpu.memory_space<hbm>> -> memref<1x10000xf32, #tpu.memory_space<hbm>>
      %dma_start3A_18 = tpu.memref_squeeze %dma_start3A_17 : memref<1x10000xf32, #tpu.memory_space<hbm>> -> memref<10000xf32, #tpu.memory_space<hbm>>
      %dma_start3A_19 = arith.constant 0 : i32
      %dma_start3A_20 = tpu.memref_slice %arg5[%add3A, %dma_start3A_19] : memref<32x10000xf32, #tpu.memory_space<hbm>> -> memref<1x10000xf32, #tpu.memory_space<hbm>>
      %dma_start3A_21 = tpu.memref_squeeze %dma_start3A_20 : memref<1x10000xf32, #tpu.memory_space<hbm>> -> memref<10000xf32, #tpu.memory_space<hbm>>
      tpu.enqueue_dma source(%arg9 : memref<10000xf32, #tpu.memory_space<vmem>>) target(%dma_start3A_21 : memref<10000xf32, #tpu.memory_space<hbm>>) target_semaphore(%run_scoped3A : memref<!tpu.dma_semaphore, #tpu.memory_space<semaphore_mem>>)
      %dma_wait3A = arith.constant 0 : i32
      %dma_wait3A_22 = tpu.memref_slice %arg5[%add3A, %dma_wait3A] : memref<32x10000xf32, #tpu.memory_space<hbm>> -> memref<1x10000xf32, #tpu.memory_space<hbm>>
      %dma_wait3A_23 = tpu.memref_squeeze %dma_wait3A_22 : memref<1x10000xf32, #tpu.memory_space<hbm>> -> memref<10000xf32, #tpu.memory_space<hbm>>
      %dma_wait3A_24 = arith.constant 0 : i32
      %dma_wait3A_25 = tpu.memref_slice %arg5[%add3A, %dma_wait3A_24] : memref<32x10000xf32, #tpu.memory_space<hbm>> -> memref<1x10000xf32, #tpu.memory_space<hbm>>
      %dma_wait3A_26 = tpu.memref_squeeze %dma_wait3A_25 : memref<1x10000xf32, #tpu.memory_space<hbm>> -> memref<10000xf32, #tpu.memory_space<hbm>>
      tpu.wait_dma2 semaphore(%run_scoped3A : memref<!tpu.dma_semaphore, #tpu.memory_space<semaphore_mem>>) src(%arg9 : memref<10000xf32, #tpu.memory_space<vmem>>) dst(%dma_wait3A_26 : memref<10000xf32, #tpu.memory_space<hbm>>)
      tpu.yield
    }) : () -> ()
    return
  }
}

#map = affine_map<(d0, d1) -> (0, 0)>
#map1 = affine_map<(d0, d1) -> (0)>
#map2 = affine_map<(d0, d1) -> (0, 0, 0)>
module attributes {stable_mosaic.version = 14 : i64} {
  func.func @agg_kernel(%arg0: i32, %arg1: i32, %arg2: memref<10016x128xf32, #tpu.memory_space<hbm>>, %arg3: memref<321024xi32, #tpu.memory_space<hbm>>, %arg4: memref<321024xi32, #tpu.memory_space<hbm>>, %arg5: memref<10000x128xf32, #tpu.memory_space<hbm>>, %arg6: memref<2x10000x128xf32, #tpu.memory_space<hbm>>, %arg7: memref<88xi32, #tpu.memory_space<vmem>>, %arg8: memref<88xi32, #tpu.memory_space<vmem>>, %arg9: memref<88xi32, #tpu.memory_space<vmem>>, %arg10: memref<88xi32, #tpu.memory_space<vmem>>, %arg11: memref<88x128xf32, #tpu.memory_space<vmem>>, %arg12: memref<10000x128xf32, #tpu.memory_space<vmem_shared>>, %arg13: memref<!tpu.dma_semaphore, #tpu.memory_space<semaphore_mem>>, %arg14: memref<!tpu.dma_semaphore, #tpu.memory_space<semaphore_mem>>, %arg15: memref<!tpu.dma_semaphore, #tpu.memory_space<semaphore_mem>>) attributes {dimension_semantics = [#tpu.dimension_semantics<core_parallel>, #tpu.dimension_semantics<subcore_parallel>], iteration_bounds = array<i64: 2, 16>, scalar_prefetch = 0 : i64, scratch_operands = 9 : i64, tpu.core_type = #tpu.core_type<sc_vector_subcore>, window_params = [{transform_indices = #map}, {transform_indices = #map1}, {transform_indices = #map1}, {transform_indices = #map}, {transform_indices = #map2}]} {
    %mul3A = arith.constant 2 : i32
    %mul3A_0 = arith.muli %arg1, %mul3A : i32
    %add3A = arith.addi %mul3A_0, %arg0 : i32
    %mul3A_1 = arith.constant 640 : i32
    %mul3A_2 = arith.muli %arg1, %mul3A_1 : i32
    %min3A = arith.constant 9360 : i32
    %min3A_3 = arith.minsi %mul3A_2, %min3A : i32
    "tpu.region"() ({
      %run_scoped3A = tpu.sem_alloc : memref<!tpu.dma_semaphore, #tpu.memory_space<semaphore_mem>>
      %dma_start3A_19 = arith.constant 0 : i32
      %dma_start3A_20 = tpu.memref_slice %arg12[%min3A_3, %dma_start3A_19] : memref<10000x128xf32, #tpu.memory_space<vmem_shared>> -> memref<640x128xf32, #tpu.memory_space<vmem_shared>>
      %dma_start3A_21 = arith.constant 0 : i32
      %dma_start3A_22 = tpu.memref_slice %arg5[%min3A_3, %dma_start3A_21] : memref<10000x128xf32, #tpu.memory_space<hbm>> -> memref<640x128xf32, #tpu.memory_space<hbm>>
      tpu.enqueue_dma source(%dma_start3A_22 : memref<640x128xf32, #tpu.memory_space<hbm>>) target(%dma_start3A_20 : memref<640x128xf32, #tpu.memory_space<vmem_shared>>) target_semaphore(%run_scoped3A : memref<!tpu.dma_semaphore, #tpu.memory_space<semaphore_mem>>)
      %dma_wait3A_23 = arith.constant 0 : i32
      %dma_wait3A_24 = tpu.memref_slice %arg12[%min3A_3, %dma_wait3A_23] : memref<10000x128xf32, #tpu.memory_space<vmem_shared>> -> memref<640x128xf32, #tpu.memory_space<vmem_shared>>
      %dma_wait3A_25 = arith.constant 0 : i32
      %dma_wait3A_26 = tpu.memref_slice %arg5[%min3A_3, %dma_wait3A_25] : memref<10000x128xf32, #tpu.memory_space<hbm>> -> memref<640x128xf32, #tpu.memory_space<hbm>>
      tpu.wait_dma2 semaphore(%run_scoped3A : memref<!tpu.dma_semaphore, #tpu.memory_space<semaphore_mem>>) src(%dma_wait3A_26 : memref<640x128xf32, #tpu.memory_space<hbm>>) dst(%dma_wait3A_24 : memref<640x128xf32, #tpu.memory_space<vmem_shared>>)
      tpu.yield
    }) : () -> ()
    %barrier3A = arith.constant 0 : index
    tpu.barrier barrier_id(%barrier3A)
    %mul3A_4 = arith.constant 10032 : i32
    %mul3A_5 = arith.muli %add3A, %mul3A_4 : i32
    %add3A_6 = arith.constant 9944 : i32
    %add3A_7 = arith.addi %mul3A_5, %add3A_6 : i32
    %dma_start3A = tpu.memref_slice %arg3[%mul3A_5] : memref<321024xi32, #tpu.memory_space<hbm>> -> memref<88xi32, #tpu.memory_space<hbm>>
    %dma_start3A_8 = tpu.memref_slice %arg3[%mul3A_5] : memref<321024xi32, #tpu.memory_space<hbm>> -> memref<88xi32, #tpu.memory_space<hbm>>
    tpu.enqueue_dma source(%dma_start3A_8 : memref<88xi32, #tpu.memory_space<hbm>>) target(%arg7 : memref<88xi32, #tpu.memory_space<vmem>>) target_semaphore(%arg14 : memref<!tpu.dma_semaphore, #tpu.memory_space<semaphore_mem>>)
    %dma_start3A_9 = tpu.memref_slice %arg4[%mul3A_5] : memref<321024xi32, #tpu.memory_space<hbm>> -> memref<88xi32, #tpu.memory_space<hbm>>
    %dma_start3A_10 = tpu.memref_slice %arg4[%mul3A_5] : memref<321024xi32, #tpu.memory_space<hbm>> -> memref<88xi32, #tpu.memory_space<hbm>>
    tpu.enqueue_dma source(%dma_start3A_10 : memref<88xi32, #tpu.memory_space<hbm>>) target(%arg8 : memref<88xi32, #tpu.memory_space<vmem>>) target_semaphore(%arg14 : memref<!tpu.dma_semaphore, #tpu.memory_space<semaphore_mem>>)
    %scan3A = arith.constant 0 : i32
    %scan3A_11 = arith.constant 57 : i32
    %scan3A_12 = arith.addi %scan3A, %scan3A_11 : i32
    %scan3A_13 = arith.constant 1 : i32
    scf.for %scan3A_19 = %scan3A to %scan3A_12 step %scan3A_13  : i32 {
      %mul3A_20 = arith.constant 2 : i32
      %mul3A_21 = arith.muli %mul3A_20, %scan3A_19 : i32
      %mul3A_22 = arith.constant 88 : i32
      %mul3A_23 = arith.muli %mul3A_21, %mul3A_22 : i32
      %add3A_24 = arith.addi %mul3A_5, %mul3A_23 : i32
      %add3A_25 = arith.constant 88 : i32
      %add3A_26 = arith.addi %add3A_24, %add3A_25 : i32
      %dma_wait3A_27 = tpu.memref_slice %arg3[%add3A_24] : memref<321024xi32, #tpu.memory_space<hbm>> -> memref<88xi32, #tpu.memory_space<hbm>>
      %dma_wait3A_28 = tpu.memref_slice %arg3[%add3A_24] : memref<321024xi32, #tpu.memory_space<hbm>> -> memref<88xi32, #tpu.memory_space<hbm>>
      tpu.wait_dma2 semaphore(%arg14 : memref<!tpu.dma_semaphore, #tpu.memory_space<semaphore_mem>>) src(%dma_wait3A_28 : memref<88xi32, #tpu.memory_space<hbm>>) dst(%arg7 : memref<88xi32, #tpu.memory_space<vmem>>)
      %dma_wait3A_29 = tpu.memref_slice %arg4[%add3A_24] : memref<321024xi32, #tpu.memory_space<hbm>> -> memref<88xi32, #tpu.memory_space<hbm>>
      %dma_wait3A_30 = tpu.memref_slice %arg4[%add3A_24] : memref<321024xi32, #tpu.memory_space<hbm>> -> memref<88xi32, #tpu.memory_space<hbm>>
      tpu.wait_dma2 semaphore(%arg14 : memref<!tpu.dma_semaphore, #tpu.memory_space<semaphore_mem>>) src(%dma_wait3A_30 : memref<88xi32, #tpu.memory_space<hbm>>) dst(%arg8 : memref<88xi32, #tpu.memory_space<vmem>>)
      %dma_start3A_31 = tpu.memref_slice %arg3[%add3A_26] : memref<321024xi32, #tpu.memory_space<hbm>> -> memref<88xi32, #tpu.memory_space<hbm>>
      %dma_start3A_32 = tpu.memref_slice %arg3[%add3A_26] : memref<321024xi32, #tpu.memory_space<hbm>> -> memref<88xi32, #tpu.memory_space<hbm>>
      tpu.enqueue_dma source(%dma_start3A_32 : memref<88xi32, #tpu.memory_space<hbm>>) target(%arg9 : memref<88xi32, #tpu.memory_space<vmem>>) target_semaphore(%arg15 : memref<!tpu.dma_semaphore, #tpu.memory_space<semaphore_mem>>)
      %dma_start3A_33 = tpu.memref_slice %arg4[%add3A_26] : memref<321024xi32, #tpu.memory_space<hbm>> -> memref<88xi32, #tpu.memory_space<hbm>>
      %dma_start3A_34 = tpu.memref_slice %arg4[%add3A_26] : memref<321024xi32, #tpu.memory_space<hbm>> -> memref<88xi32, #tpu.memory_space<hbm>>
      tpu.enqueue_dma source(%dma_start3A_34 : memref<88xi32, #tpu.memory_space<hbm>>) target(%arg10 : memref<88xi32, #tpu.memory_space<vmem>>) target_semaphore(%arg15 : memref<!tpu.dma_semaphore, #tpu.memory_space<semaphore_mem>>)
      %dma_start3A_35 = arith.constant 0 : i32
      %dma_start3A_36 = arith.constant 0 : i32
      %dma_start3A_37 = tpu.memref_slice %arg2[%dma_start3A_35, %dma_start3A_36] : memref<10016x128xf32, #tpu.memory_space<hbm>> -> memref<10016x128xf32, #tpu.memory_space<hbm>>
      tpu.enqueue_indirect_dma source(%dma_start3A_37 : memref<10016x128xf32, #tpu.memory_space<hbm>>) target(%arg11 : memref<88x128xf32, #tpu.memory_space<vmem>>) offsets(%arg7 : memref<88xi32, #tpu.memory_space<vmem>>) semaphore(%arg13 : memref<!tpu.dma_semaphore, #tpu.memory_space<semaphore_mem>>)
      %dma_wait3A_38 = arith.constant 0 : i32
      %dma_wait3A_39 = arith.constant 0 : i32
      %dma_wait3A_40 = tpu.memref_slice %arg2[%dma_wait3A_38, %dma_wait3A_39] : memref<10016x128xf32, #tpu.memory_space<hbm>> -> memref<10016x128xf32, #tpu.memory_space<hbm>>
      tpu.wait_indirect_dma semaphore(%arg13 : memref<!tpu.dma_semaphore, #tpu.memory_space<semaphore_mem>>) src(%dma_wait3A_40 : memref<10016x128xf32, #tpu.memory_space<hbm>>) dst(%arg11 : memref<88x128xf32, #tpu.memory_space<vmem>>)
      "tpu.region"() ({
        %run_scoped3A = tpu.sem_alloc : memref<!tpu.dma_semaphore, #tpu.memory_space<semaphore_mem>>
        %dma_start3A_58 = arith.constant 0 : i32
        %dma_start3A_59 = arith.constant 0 : i32
        %dma_start3A_60 = tpu.memref_slice %arg12[%dma_start3A_58, %dma_start3A_59] : memref<10000x128xf32, #tpu.memory_space<vmem_shared>> -> memref<10000x128xf32, #tpu.memory_space<vmem_shared>>
        tpu.enqueue_indirect_dma source(%arg11 : memref<88x128xf32, #tpu.memory_space<vmem>>) target(%dma_start3A_60 : memref<10000x128xf32, #tpu.memory_space<vmem_shared>>) offsets(%arg8 : memref<88xi32, #tpu.memory_space<vmem>>) semaphore(%run_scoped3A : memref<!tpu.dma_semaphore, #tpu.memory_space<semaphore_mem>>) {add = true}
        %dma_wait3A_61 = arith.constant 0 : i32
        %dma_wait3A_62 = arith.constant 0 : i32
        %dma_wait3A_63 = tpu.memref_slice %arg12[%dma_wait3A_61, %dma_wait3A_62] : memref<10000x128xf32, #tpu.memory_space<vmem_shared>> -> memref<10000x128xf32, #tpu.memory_space<vmem_shared>>
        tpu.wait_indirect_dma semaphore(%run_scoped3A : memref<!tpu.dma_semaphore, #tpu.memory_space<semaphore_mem>>) src(%arg11 : memref<88x128xf32, #tpu.memory_space<vmem>>) dst(%dma_wait3A_63 : memref<10000x128xf32, #tpu.memory_space<vmem_shared>>)
        tpu.yield
      }) : () -> ()
      %dma_wait3A_41 = tpu.memref_slice %arg3[%add3A_26] : memref<321024xi32, #tpu.memory_space<hbm>> -> memref<88xi32, #tpu.memory_space<hbm>>
      %dma_wait3A_42 = tpu.memref_slice %arg3[%add3A_26] : memref<321024xi32, #tpu.memory_space<hbm>> -> memref<88xi32, #tpu.memory_space<hbm>>
      tpu.wait_dma2 semaphore(%arg15 : memref<!tpu.dma_semaphore, #tpu.memory_space<semaphore_mem>>) src(%dma_wait3A_42 : memref<88xi32, #tpu.memory_space<hbm>>) dst(%arg9 : memref<88xi32, #tpu.memory_space<vmem>>)
      %dma_wait3A_43 = tpu.memref_slice %arg4[%add3A_26] : memref<321024xi32, #tpu.memory_space<hbm>> -> memref<88xi32, #tpu.memory_space<hbm>>
      %dma_wait3A_44 = tpu.memref_slice %arg4[%add3A_26] : memref<321024xi32, #tpu.memory_space<hbm>> -> memref<88xi32, #tpu.memory_space<hbm>>
      tpu.wait_dma2 semaphore(%arg15 : memref<!tpu.dma_semaphore, #tpu.memory_space<semaphore_mem>>) src(%dma_wait3A_44 : memref<88xi32, #tpu.memory_space<hbm>>) dst(%arg10 : memref<88xi32, #tpu.memory_space<vmem>>)
      %add3A_45 = arith.constant 88 : i32
      %add3A_46 = arith.addi %add3A_26, %add3A_45 : i32
      %min3A_47 = arith.minsi %add3A_46, %add3A_7 : i32
      %dma_start3A_48 = tpu.memref_slice %arg3[%min3A_47] : memref<321024xi32, #tpu.memory_space<hbm>> -> memref<88xi32, #tpu.memory_space<hbm>>
      %dma_start3A_49 = tpu.memref_slice %arg3[%min3A_47] : memref<321024xi32, #tpu.memory_space<hbm>> -> memref<88xi32, #tpu.memory_space<hbm>>
      tpu.enqueue_dma source(%dma_start3A_49 : memref<88xi32, #tpu.memory_space<hbm>>) target(%arg7 : memref<88xi32, #tpu.memory_space<vmem>>) target_semaphore(%arg14 : memref<!tpu.dma_semaphore, #tpu.memory_space<semaphore_mem>>)
      %dma_start3A_50 = tpu.memref_slice %arg4[%min3A_47] : memref<321024xi32, #tpu.memory_space<hbm>> -> memref<88xi32, #tpu.memory_space<hbm>>
      %dma_start3A_51 = tpu.memref_slice %arg4[%min3A_47] : memref<321024xi32, #tpu.memory_space<hbm>> -> memref<88xi32, #tpu.memory_space<hbm>>
      tpu.enqueue_dma source(%dma_start3A_51 : memref<88xi32, #tpu.memory_space<hbm>>) target(%arg8 : memref<88xi32, #tpu.memory_space<vmem>>) target_semaphore(%arg14 : memref<!tpu.dma_semaphore, #tpu.memory_space<semaphore_mem>>)
      %dma_start3A_52 = arith.constant 0 : i32
      %dma_start3A_53 = arith.constant 0 : i32
      %dma_start3A_54 = tpu.memref_slice %arg2[%dma_start3A_52, %dma_start3A_53] : memref<10016x128xf32, #tpu.memory_space<hbm>> -> memref<10016x128xf32, #tpu.memory_space<hbm>>
      tpu.enqueue_indirect_dma source(%dma_start3A_54 : memref<10016x128xf32, #tpu.memory_space<hbm>>) target(%arg11 : memref<88x128xf32, #tpu.memory_space<vmem>>) offsets(%arg9 : memref<88xi32, #tpu.memory_space<vmem>>) semaphore(%arg13 : memref<!tpu.dma_semaphore, #tpu.memory_space<semaphore_mem>>)
      %dma_wait3A_55 = arith.constant 0 : i32
      %dma_wait3A_56 = arith.constant 0 : i32
      %dma_wait3A_57 = tpu.memref_slice %arg2[%dma_wait3A_55, %dma_wait3A_56] : memref<10016x128xf32, #tpu.memory_space<hbm>> -> memref<10016x128xf32, #tpu.memory_space<hbm>>
      tpu.wait_indirect_dma semaphore(%arg13 : memref<!tpu.dma_semaphore, #tpu.memory_space<semaphore_mem>>) src(%dma_wait3A_57 : memref<10016x128xf32, #tpu.memory_space<hbm>>) dst(%arg11 : memref<88x128xf32, #tpu.memory_space<vmem>>)
      "tpu.region"() ({
        %run_scoped3A = tpu.sem_alloc : memref<!tpu.dma_semaphore, #tpu.memory_space<semaphore_mem>>
        %dma_start3A_58 = arith.constant 0 : i32
        %dma_start3A_59 = arith.constant 0 : i32
        %dma_start3A_60 = tpu.memref_slice %arg12[%dma_start3A_58, %dma_start3A_59] : memref<10000x128xf32, #tpu.memory_space<vmem_shared>> -> memref<10000x128xf32, #tpu.memory_space<vmem_shared>>
        tpu.enqueue_indirect_dma source(%arg11 : memref<88x128xf32, #tpu.memory_space<vmem>>) target(%dma_start3A_60 : memref<10000x128xf32, #tpu.memory_space<vmem_shared>>) offsets(%arg10 : memref<88xi32, #tpu.memory_space<vmem>>) semaphore(%run_scoped3A : memref<!tpu.dma_semaphore, #tpu.memory_space<semaphore_mem>>) {add = true}
        %dma_wait3A_61 = arith.constant 0 : i32
        %dma_wait3A_62 = arith.constant 0 : i32
        %dma_wait3A_63 = tpu.memref_slice %arg12[%dma_wait3A_61, %dma_wait3A_62] : memref<10000x128xf32, #tpu.memory_space<vmem_shared>> -> memref<10000x128xf32, #tpu.memory_space<vmem_shared>>
        tpu.wait_indirect_dma semaphore(%run_scoped3A : memref<!tpu.dma_semaphore, #tpu.memory_space<semaphore_mem>>) src(%arg11 : memref<88x128xf32, #tpu.memory_space<vmem>>) dst(%dma_wait3A_63 : memref<10000x128xf32, #tpu.memory_space<vmem_shared>>)
        tpu.yield
      }) : () -> ()
    }
    %scan3A_14 = arith.constant 57 : i32
    %dma_wait3A = tpu.memref_slice %arg3[%mul3A_5] : memref<321024xi32, #tpu.memory_space<hbm>> -> memref<88xi32, #tpu.memory_space<hbm>>
    %dma_wait3A_15 = tpu.memref_slice %arg3[%mul3A_5] : memref<321024xi32, #tpu.memory_space<hbm>> -> memref<88xi32, #tpu.memory_space<hbm>>
    tpu.wait_dma2 semaphore(%arg14 : memref<!tpu.dma_semaphore, #tpu.memory_space<semaphore_mem>>) src(%dma_wait3A_15 : memref<88xi32, #tpu.memory_space<hbm>>) dst(%arg7 : memref<88xi32, #tpu.memory_space<vmem>>)
    %dma_wait3A_16 = tpu.memref_slice %arg4[%mul3A_5] : memref<321024xi32, #tpu.memory_space<hbm>> -> memref<88xi32, #tpu.memory_space<hbm>>
    %dma_wait3A_17 = tpu.memref_slice %arg4[%mul3A_5] : memref<321024xi32, #tpu.memory_space<hbm>> -> memref<88xi32, #tpu.memory_space<hbm>>
    tpu.wait_dma2 semaphore(%arg14 : memref<!tpu.dma_semaphore, #tpu.memory_space<semaphore_mem>>) src(%dma_wait3A_17 : memref<88xi32, #tpu.memory_space<hbm>>) dst(%arg8 : memref<88xi32, #tpu.memory_space<vmem>>)
    %barrier3A_18 = arith.constant 0 : index
    tpu.barrier barrier_id(%barrier3A_18)
    "tpu.region"() ({
      %run_scoped3A = tpu.sem_alloc : memref<!tpu.dma_semaphore, #tpu.memory_space<semaphore_mem>>
      %dma_start3A_19 = arith.constant 0 : i32
      %dma_start3A_20 = tpu.memref_slice %arg6[%arg0, %min3A_3, %dma_start3A_19] : memref<2x10000x128xf32, #tpu.memory_space<hbm>> -> memref<1x640x128xf32, #tpu.memory_space<hbm>>
      %dma_start3A_21 = tpu.memref_squeeze %dma_start3A_20 : memref<1x640x128xf32, #tpu.memory_space<hbm>> -> memref<640x128xf32, #tpu.memory_space<hbm>>
      %dma_start3A_22 = arith.constant 0 : i32
      %dma_start3A_23 = tpu.memref_slice %arg12[%min3A_3, %dma_start3A_22] : memref<10000x128xf32, #tpu.memory_space<vmem_shared>> -> memref<640x128xf32, #tpu.memory_space<vmem_shared>>
      tpu.enqueue_dma source(%dma_start3A_23 : memref<640x128xf32, #tpu.memory_space<vmem_shared>>) target(%dma_start3A_21 : memref<640x128xf32, #tpu.memory_space<hbm>>) target_semaphore(%run_scoped3A : memref<!tpu.dma_semaphore, #tpu.memory_space<semaphore_mem>>)
      %dma_wait3A_24 = arith.constant 0 : i32
      %dma_wait3A_25 = tpu.memref_slice %arg6[%arg0, %min3A_3, %dma_wait3A_24] : memref<2x10000x128xf32, #tpu.memory_space<hbm>> -> memref<1x640x128xf32, #tpu.memory_space<hbm>>
      %dma_wait3A_26 = tpu.memref_squeeze %dma_wait3A_25 : memref<1x640x128xf32, #tpu.memory_space<hbm>> -> memref<640x128xf32, #tpu.memory_space<hbm>>
      %dma_wait3A_27 = arith.constant 0 : i32
      %dma_wait3A_28 = tpu.memref_slice %arg12[%min3A_3, %dma_wait3A_27] : memref<10000x128xf32, #tpu.memory_space<vmem_shared>> -> memref<640x128xf32, #tpu.memory_space<vmem_shared>>
      tpu.wait_dma2 semaphore(%run_scoped3A : memref<!tpu.dma_semaphore, #tpu.memory_space<semaphore_mem>>) src(%dma_wait3A_28 : memref<640x128xf32, #tpu.memory_space<vmem_shared>>) dst(%dma_wait3A_26 : memref<640x128xf32, #tpu.memory_space<hbm>>)
      tpu.yield
    }) : () -> ()
    return
  }
}

#map = affine_map<(d0, d1) -> (0, 0)>
#map1 = affine_map<(d0, d1) -> (0)>
#map2 = affine_map<(d0, d1) -> (0, 0, 0)>
module attributes {stable_mosaic.version = 14 : i64} {
  func.func @agg_kernel(%arg0: i32, %arg1: i32, %arg2: memref<10016x128xf32, #tpu.memory_space<hbm>>, %arg3: memref<321024xi32, #tpu.memory_space<hbm>>, %arg4: memref<321024xi32, #tpu.memory_space<hbm>>, %arg5: memref<10000x128xf32, #tpu.memory_space<hbm>>, %arg6: memref<2x10000x128xf32, #tpu.memory_space<hbm>>, %arg7: memref<88xi32, #tpu.memory_space<vmem>>, %arg8: memref<88xi32, #tpu.memory_space<vmem>>, %arg9: memref<88xi32, #tpu.memory_space<vmem>>, %arg10: memref<88xi32, #tpu.memory_space<vmem>>, %arg11: memref<88x128xf32, #tpu.memory_space<vmem>>, %arg12: memref<10000x128xf32, #tpu.memory_space<vmem_shared>>, %arg13: memref<!tpu.dma_semaphore, #tpu.memory_space<semaphore_mem>>, %arg14: memref<!tpu.dma_semaphore, #tpu.memory_space<semaphore_mem>>, %arg15: memref<!tpu.dma_semaphore, #tpu.memory_space<semaphore_mem>>) attributes {dimension_semantics = [#tpu.dimension_semantics<core_parallel>, #tpu.dimension_semantics<subcore_parallel>], iteration_bounds = array<i64: 2, 16>, scalar_prefetch = 0 : i64, scratch_operands = 9 : i64, tpu.core_type = #tpu.core_type<sc_vector_subcore>, window_params = [{transform_indices = #map}, {transform_indices = #map1}, {transform_indices = #map1}, {transform_indices = #map}, {transform_indices = #map2}]} {
    %mul3A = arith.constant 2 : i32
    %mul3A_0 = arith.muli %arg1, %mul3A : i32
    %add3A = arith.addi %mul3A_0, %arg0 : i32
    %mul3A_1 = arith.constant 640 : i32
    %mul3A_2 = arith.muli %arg1, %mul3A_1 : i32
    %min3A = arith.constant 9360 : i32
    %min3A_3 = arith.minsi %mul3A_2, %min3A : i32
    "tpu.region"() ({
      %run_scoped3A = tpu.sem_alloc : memref<!tpu.dma_semaphore, #tpu.memory_space<semaphore_mem>>
      %dma_start3A_19 = arith.constant 0 : i32
      %dma_start3A_20 = tpu.memref_slice %arg12[%min3A_3, %dma_start3A_19] : memref<10000x128xf32, #tpu.memory_space<vmem_shared>> -> memref<640x128xf32, #tpu.memory_space<vmem_shared>>
      %dma_start3A_21 = arith.constant 0 : i32
      %dma_start3A_22 = tpu.memref_slice %arg5[%min3A_3, %dma_start3A_21] : memref<10000x128xf32, #tpu.memory_space<hbm>> -> memref<640x128xf32, #tpu.memory_space<hbm>>
      tpu.enqueue_dma source(%dma_start3A_22 : memref<640x128xf32, #tpu.memory_space<hbm>>) target(%dma_start3A_20 : memref<640x128xf32, #tpu.memory_space<vmem_shared>>) target_semaphore(%run_scoped3A : memref<!tpu.dma_semaphore, #tpu.memory_space<semaphore_mem>>)
      %dma_wait3A_23 = arith.constant 0 : i32
      %dma_wait3A_24 = tpu.memref_slice %arg12[%min3A_3, %dma_wait3A_23] : memref<10000x128xf32, #tpu.memory_space<vmem_shared>> -> memref<640x128xf32, #tpu.memory_space<vmem_shared>>
      %dma_wait3A_25 = arith.constant 0 : i32
      %dma_wait3A_26 = tpu.memref_slice %arg5[%min3A_3, %dma_wait3A_25] : memref<10000x128xf32, #tpu.memory_space<hbm>> -> memref<640x128xf32, #tpu.memory_space<hbm>>
      tpu.wait_dma2 semaphore(%run_scoped3A : memref<!tpu.dma_semaphore, #tpu.memory_space<semaphore_mem>>) src(%dma_wait3A_26 : memref<640x128xf32, #tpu.memory_space<hbm>>) dst(%dma_wait3A_24 : memref<640x128xf32, #tpu.memory_space<vmem_shared>>)
      tpu.yield
    }) : () -> ()
    %barrier3A = arith.constant 0 : index
    tpu.barrier barrier_id(%barrier3A)
    %mul3A_4 = arith.constant 10032 : i32
    %mul3A_5 = arith.muli %add3A, %mul3A_4 : i32
    %add3A_6 = arith.constant 9944 : i32
    %add3A_7 = arith.addi %mul3A_5, %add3A_6 : i32
    %dma_start3A = tpu.memref_slice %arg3[%mul3A_5] : memref<321024xi32, #tpu.memory_space<hbm>> -> memref<88xi32, #tpu.memory_space<hbm>>
    %dma_start3A_8 = tpu.memref_slice %arg3[%mul3A_5] : memref<321024xi32, #tpu.memory_space<hbm>> -> memref<88xi32, #tpu.memory_space<hbm>>
    tpu.enqueue_dma source(%dma_start3A_8 : memref<88xi32, #tpu.memory_space<hbm>>) target(%arg7 : memref<88xi32, #tpu.memory_space<vmem>>) target_semaphore(%arg14 : memref<!tpu.dma_semaphore, #tpu.memory_space<semaphore_mem>>)
    %dma_start3A_9 = tpu.memref_slice %arg4[%mul3A_5] : memref<321024xi32, #tpu.memory_space<hbm>> -> memref<88xi32, #tpu.memory_space<hbm>>
    %dma_start3A_10 = tpu.memref_slice %arg4[%mul3A_5] : memref<321024xi32, #tpu.memory_space<hbm>> -> memref<88xi32, #tpu.memory_space<hbm>>
    tpu.enqueue_dma source(%dma_start3A_10 : memref<88xi32, #tpu.memory_space<hbm>>) target(%arg8 : memref<88xi32, #tpu.memory_space<vmem>>) target_semaphore(%arg14 : memref<!tpu.dma_semaphore, #tpu.memory_space<semaphore_mem>>)
    %scan3A = arith.constant 0 : i32
    %scan3A_11 = arith.constant 57 : i32
    %scan3A_12 = arith.addi %scan3A, %scan3A_11 : i32
    %scan3A_13 = arith.constant 1 : i32
    scf.for %scan3A_19 = %scan3A to %scan3A_12 step %scan3A_13  : i32 {
      %mul3A_20 = arith.constant 2 : i32
      %mul3A_21 = arith.muli %mul3A_20, %scan3A_19 : i32
      %mul3A_22 = arith.constant 88 : i32
      %mul3A_23 = arith.muli %mul3A_21, %mul3A_22 : i32
      %add3A_24 = arith.addi %mul3A_5, %mul3A_23 : i32
      %add3A_25 = arith.constant 88 : i32
      %add3A_26 = arith.addi %add3A_24, %add3A_25 : i32
      %dma_wait3A_27 = tpu.memref_slice %arg3[%add3A_24] : memref<321024xi32, #tpu.memory_space<hbm>> -> memref<88xi32, #tpu.memory_space<hbm>>
      %dma_wait3A_28 = tpu.memref_slice %arg3[%add3A_24] : memref<321024xi32, #tpu.memory_space<hbm>> -> memref<88xi32, #tpu.memory_space<hbm>>
      tpu.wait_dma2 semaphore(%arg14 : memref<!tpu.dma_semaphore, #tpu.memory_space<semaphore_mem>>) src(%dma_wait3A_28 : memref<88xi32, #tpu.memory_space<hbm>>) dst(%arg7 : memref<88xi32, #tpu.memory_space<vmem>>)
      %dma_wait3A_29 = tpu.memref_slice %arg4[%add3A_24] : memref<321024xi32, #tpu.memory_space<hbm>> -> memref<88xi32, #tpu.memory_space<hbm>>
      %dma_wait3A_30 = tpu.memref_slice %arg4[%add3A_24] : memref<321024xi32, #tpu.memory_space<hbm>> -> memref<88xi32, #tpu.memory_space<hbm>>
      tpu.wait_dma2 semaphore(%arg14 : memref<!tpu.dma_semaphore, #tpu.memory_space<semaphore_mem>>) src(%dma_wait3A_30 : memref<88xi32, #tpu.memory_space<hbm>>) dst(%arg8 : memref<88xi32, #tpu.memory_space<vmem>>)
      %dma_start3A_31 = tpu.memref_slice %arg3[%add3A_26] : memref<321024xi32, #tpu.memory_space<hbm>> -> memref<88xi32, #tpu.memory_space<hbm>>
      %dma_start3A_32 = tpu.memref_slice %arg3[%add3A_26] : memref<321024xi32, #tpu.memory_space<hbm>> -> memref<88xi32, #tpu.memory_space<hbm>>
      tpu.enqueue_dma source(%dma_start3A_32 : memref<88xi32, #tpu.memory_space<hbm>>) target(%arg9 : memref<88xi32, #tpu.memory_space<vmem>>) target_semaphore(%arg15 : memref<!tpu.dma_semaphore, #tpu.memory_space<semaphore_mem>>)
      %dma_start3A_33 = tpu.memref_slice %arg4[%add3A_26] : memref<321024xi32, #tpu.memory_space<hbm>> -> memref<88xi32, #tpu.memory_space<hbm>>
      %dma_start3A_34 = tpu.memref_slice %arg4[%add3A_26] : memref<321024xi32, #tpu.memory_space<hbm>> -> memref<88xi32, #tpu.memory_space<hbm>>
      tpu.enqueue_dma source(%dma_start3A_34 : memref<88xi32, #tpu.memory_space<hbm>>) target(%arg10 : memref<88xi32, #tpu.memory_space<vmem>>) target_semaphore(%arg15 : memref<!tpu.dma_semaphore, #tpu.memory_space<semaphore_mem>>)
      %dma_start3A_35 = arith.constant 0 : i32
      %dma_start3A_36 = arith.constant 0 : i32
      %dma_start3A_37 = tpu.memref_slice %arg2[%dma_start3A_35, %dma_start3A_36] : memref<10016x128xf32, #tpu.memory_space<hbm>> -> memref<10016x128xf32, #tpu.memory_space<hbm>>
      tpu.enqueue_indirect_dma source(%dma_start3A_37 : memref<10016x128xf32, #tpu.memory_space<hbm>>) target(%arg11 : memref<88x128xf32, #tpu.memory_space<vmem>>) offsets(%arg7 : memref<88xi32, #tpu.memory_space<vmem>>) semaphore(%arg13 : memref<!tpu.dma_semaphore, #tpu.memory_space<semaphore_mem>>)
      %dma_wait3A_38 = arith.constant 0 : i32
      %dma_wait3A_39 = arith.constant 0 : i32
      %dma_wait3A_40 = tpu.memref_slice %arg2[%dma_wait3A_38, %dma_wait3A_39] : memref<10016x128xf32, #tpu.memory_space<hbm>> -> memref<10016x128xf32, #tpu.memory_space<hbm>>
      tpu.wait_indirect_dma semaphore(%arg13 : memref<!tpu.dma_semaphore, #tpu.memory_space<semaphore_mem>>) src(%dma_wait3A_40 : memref<10016x128xf32, #tpu.memory_space<hbm>>) dst(%arg11 : memref<88x128xf32, #tpu.memory_space<vmem>>)
      "tpu.region"() ({
        %run_scoped3A = tpu.sem_alloc : memref<!tpu.dma_semaphore, #tpu.memory_space<semaphore_mem>>
        %dma_start3A_58 = arith.constant 0 : i32
        %dma_start3A_59 = arith.constant 0 : i32
        %dma_start3A_60 = tpu.memref_slice %arg12[%dma_start3A_58, %dma_start3A_59] : memref<10000x128xf32, #tpu.memory_space<vmem_shared>> -> memref<10000x128xf32, #tpu.memory_space<vmem_shared>>
        tpu.enqueue_indirect_dma source(%arg11 : memref<88x128xf32, #tpu.memory_space<vmem>>) target(%dma_start3A_60 : memref<10000x128xf32, #tpu.memory_space<vmem_shared>>) offsets(%arg8 : memref<88xi32, #tpu.memory_space<vmem>>) semaphore(%run_scoped3A : memref<!tpu.dma_semaphore, #tpu.memory_space<semaphore_mem>>) {add = true}
        %dma_wait3A_61 = arith.constant 0 : i32
        %dma_wait3A_62 = arith.constant 0 : i32
        %dma_wait3A_63 = tpu.memref_slice %arg12[%dma_wait3A_61, %dma_wait3A_62] : memref<10000x128xf32, #tpu.memory_space<vmem_shared>> -> memref<10000x128xf32, #tpu.memory_space<vmem_shared>>
        tpu.wait_indirect_dma semaphore(%run_scoped3A : memref<!tpu.dma_semaphore, #tpu.memory_space<semaphore_mem>>) src(%arg11 : memref<88x128xf32, #tpu.memory_space<vmem>>) dst(%dma_wait3A_63 : memref<10000x128xf32, #tpu.memory_space<vmem_shared>>)
        tpu.yield
      }) : () -> ()
      %dma_wait3A_41 = tpu.memref_slice %arg3[%add3A_26] : memref<321024xi32, #tpu.memory_space<hbm>> -> memref<88xi32, #tpu.memory_space<hbm>>
      %dma_wait3A_42 = tpu.memref_slice %arg3[%add3A_26] : memref<321024xi32, #tpu.memory_space<hbm>> -> memref<88xi32, #tpu.memory_space<hbm>>
      tpu.wait_dma2 semaphore(%arg15 : memref<!tpu.dma_semaphore, #tpu.memory_space<semaphore_mem>>) src(%dma_wait3A_42 : memref<88xi32, #tpu.memory_space<hbm>>) dst(%arg9 : memref<88xi32, #tpu.memory_space<vmem>>)
      %dma_wait3A_43 = tpu.memref_slice %arg4[%add3A_26] : memref<321024xi32, #tpu.memory_space<hbm>> -> memref<88xi32, #tpu.memory_space<hbm>>
      %dma_wait3A_44 = tpu.memref_slice %arg4[%add3A_26] : memref<321024xi32, #tpu.memory_space<hbm>> -> memref<88xi32, #tpu.memory_space<hbm>>
      tpu.wait_dma2 semaphore(%arg15 : memref<!tpu.dma_semaphore, #tpu.memory_space<semaphore_mem>>) src(%dma_wait3A_44 : memref<88xi32, #tpu.memory_space<hbm>>) dst(%arg10 : memref<88xi32, #tpu.memory_space<vmem>>)
      %add3A_45 = arith.constant 88 : i32
      %add3A_46 = arith.addi %add3A_26, %add3A_45 : i32
      %min3A_47 = arith.minsi %add3A_46, %add3A_7 : i32
      %dma_start3A_48 = tpu.memref_slice %arg3[%min3A_47] : memref<321024xi32, #tpu.memory_space<hbm>> -> memref<88xi32, #tpu.memory_space<hbm>>
      %dma_start3A_49 = tpu.memref_slice %arg3[%min3A_47] : memref<321024xi32, #tpu.memory_space<hbm>> -> memref<88xi32, #tpu.memory_space<hbm>>
      tpu.enqueue_dma source(%dma_start3A_49 : memref<88xi32, #tpu.memory_space<hbm>>) target(%arg7 : memref<88xi32, #tpu.memory_space<vmem>>) target_semaphore(%arg14 : memref<!tpu.dma_semaphore, #tpu.memory_space<semaphore_mem>>)
      %dma_start3A_50 = tpu.memref_slice %arg4[%min3A_47] : memref<321024xi32, #tpu.memory_space<hbm>> -> memref<88xi32, #tpu.memory_space<hbm>>
      %dma_start3A_51 = tpu.memref_slice %arg4[%min3A_47] : memref<321024xi32, #tpu.memory_space<hbm>> -> memref<88xi32, #tpu.memory_space<hbm>>
      tpu.enqueue_dma source(%dma_start3A_51 : memref<88xi32, #tpu.memory_space<hbm>>) target(%arg8 : memref<88xi32, #tpu.memory_space<vmem>>) target_semaphore(%arg14 : memref<!tpu.dma_semaphore, #tpu.memory_space<semaphore_mem>>)
      %dma_start3A_52 = arith.constant 0 : i32
      %dma_start3A_53 = arith.constant 0 : i32
      %dma_start3A_54 = tpu.memref_slice %arg2[%dma_start3A_52, %dma_start3A_53] : memref<10016x128xf32, #tpu.memory_space<hbm>> -> memref<10016x128xf32, #tpu.memory_space<hbm>>
      tpu.enqueue_indirect_dma source(%dma_start3A_54 : memref<10016x128xf32, #tpu.memory_space<hbm>>) target(%arg11 : memref<88x128xf32, #tpu.memory_space<vmem>>) offsets(%arg9 : memref<88xi32, #tpu.memory_space<vmem>>) semaphore(%arg13 : memref<!tpu.dma_semaphore, #tpu.memory_space<semaphore_mem>>)
      %dma_wait3A_55 = arith.constant 0 : i32
      %dma_wait3A_56 = arith.constant 0 : i32
      %dma_wait3A_57 = tpu.memref_slice %arg2[%dma_wait3A_55, %dma_wait3A_56] : memref<10016x128xf32, #tpu.memory_space<hbm>> -> memref<10016x128xf32, #tpu.memory_space<hbm>>
      tpu.wait_indirect_dma semaphore(%arg13 : memref<!tpu.dma_semaphore, #tpu.memory_space<semaphore_mem>>) src(%dma_wait3A_57 : memref<10016x128xf32, #tpu.memory_space<hbm>>) dst(%arg11 : memref<88x128xf32, #tpu.memory_space<vmem>>)
      "tpu.region"() ({
        %run_scoped3A = tpu.sem_alloc : memref<!tpu.dma_semaphore, #tpu.memory_space<semaphore_mem>>
        %dma_start3A_58 = arith.constant 0 : i32
        %dma_start3A_59 = arith.constant 0 : i32
        %dma_start3A_60 = tpu.memref_slice %arg12[%dma_start3A_58, %dma_start3A_59] : memref<10000x128xf32, #tpu.memory_space<vmem_shared>> -> memref<10000x128xf32, #tpu.memory_space<vmem_shared>>
        tpu.enqueue_indirect_dma source(%arg11 : memref<88x128xf32, #tpu.memory_space<vmem>>) target(%dma_start3A_60 : memref<10000x128xf32, #tpu.memory_space<vmem_shared>>) offsets(%arg10 : memref<88xi32, #tpu.memory_space<vmem>>) semaphore(%run_scoped3A : memref<!tpu.dma_semaphore, #tpu.memory_space<semaphore_mem>>) {add = true}
        %dma_wait3A_61 = arith.constant 0 : i32
        %dma_wait3A_62 = arith.constant 0 : i32
        %dma_wait3A_63 = tpu.memref_slice %arg12[%dma_wait3A_61, %dma_wait3A_62] : memref<10000x128xf32, #tpu.memory_space<vmem_shared>> -> memref<10000x128xf32, #tpu.memory_space<vmem_shared>>
        tpu.wait_indirect_dma semaphore(%run_scoped3A : memref<!tpu.dma_semaphore, #tpu.memory_space<semaphore_mem>>) src(%arg11 : memref<88x128xf32, #tpu.memory_space<vmem>>) dst(%dma_wait3A_63 : memref<10000x128xf32, #tpu.memory_space<vmem_shared>>)
        tpu.yield
      }) : () -> ()
    }
    %scan3A_14 = arith.constant 57 : i32
    %dma_wait3A = tpu.memref_slice %arg3[%mul3A_5] : memref<321024xi32, #tpu.memory_space<hbm>> -> memref<88xi32, #tpu.memory_space<hbm>>
    %dma_wait3A_15 = tpu.memref_slice %arg3[%mul3A_5] : memref<321024xi32, #tpu.memory_space<hbm>> -> memref<88xi32, #tpu.memory_space<hbm>>
    tpu.wait_dma2 semaphore(%arg14 : memref<!tpu.dma_semaphore, #tpu.memory_space<semaphore_mem>>) src(%dma_wait3A_15 : memref<88xi32, #tpu.memory_space<hbm>>) dst(%arg7 : memref<88xi32, #tpu.memory_space<vmem>>)
    %dma_wait3A_16 = tpu.memref_slice %arg4[%mul3A_5] : memref<321024xi32, #tpu.memory_space<hbm>> -> memref<88xi32, #tpu.memory_space<hbm>>
    %dma_wait3A_17 = tpu.memref_slice %arg4[%mul3A_5] : memref<321024xi32, #tpu.memory_space<hbm>> -> memref<88xi32, #tpu.memory_space<hbm>>
    tpu.wait_dma2 semaphore(%arg14 : memref<!tpu.dma_semaphore, #tpu.memory_space<semaphore_mem>>) src(%dma_wait3A_17 : memref<88xi32, #tpu.memory_space<hbm>>) dst(%arg8 : memref<88xi32, #tpu.memory_space<vmem>>)
    %barrier3A_18 = arith.constant 0 : index
    tpu.barrier barrier_id(%barrier3A_18)
    "tpu.region"() ({
      %run_scoped3A = tpu.sem_alloc : memref<!tpu.dma_semaphore, #tpu.memory_space<semaphore_mem>>
      %dma_start3A_19 = arith.constant 0 : i32
      %dma_start3A_20 = tpu.memref_slice %arg6[%arg0, %min3A_3, %dma_start3A_19] : memref<2x10000x128xf32, #tpu.memory_space<hbm>> -> memref<1x640x128xf32, #tpu.memory_space<hbm>>
      %dma_start3A_21 = tpu.memref_squeeze %dma_start3A_20 : memref<1x640x128xf32, #tpu.memory_space<hbm>> -> memref<640x128xf32, #tpu.memory_space<hbm>>
      %dma_start3A_22 = arith.constant 0 : i32
      %dma_start3A_23 = tpu.memref_slice %arg12[%min3A_3, %dma_start3A_22] : memref<10000x128xf32, #tpu.memory_space<vmem_shared>> -> memref<640x128xf32, #tpu.memory_space<vmem_shared>>
      tpu.enqueue_dma source(%dma_start3A_23 : memref<640x128xf32, #tpu.memory_space<vmem_shared>>) target(%dma_start3A_21 : memref<640x128xf32, #tpu.memory_space<hbm>>) target_semaphore(%run_scoped3A : memref<!tpu.dma_semaphore, #tpu.memory_space<semaphore_mem>>)
      %dma_wait3A_24 = arith.constant 0 : i32
      %dma_wait3A_25 = tpu.memref_slice %arg6[%arg0, %min3A_3, %dma_wait3A_24] : memref<2x10000x128xf32, #tpu.memory_space<hbm>> -> memref<1x640x128xf32, #tpu.memory_space<hbm>>
      %dma_wait3A_26 = tpu.memref_squeeze %dma_wait3A_25 : memref<1x640x128xf32, #tpu.memory_space<hbm>> -> memref<640x128xf32, #tpu.memory_space<hbm>>
      %dma_wait3A_27 = arith.constant 0 : i32
      %dma_wait3A_28 = tpu.memref_slice %arg12[%min3A_3, %dma_wait3A_27] : memref<10000x128xf32, #tpu.memory_space<vmem_shared>> -> memref<640x128xf32, #tpu.memory_space<vmem_shared>>
      tpu.wait_dma2 semaphore(%run_scoped3A : memref<!tpu.dma_semaphore, #tpu.memory_space<semaphore_mem>>) src(%dma_wait3A_28 : memref<640x128xf32, #tpu.memory_space<vmem_shared>>) dst(%dma_wait3A_26 : memref<640x128xf32, #tpu.memory_space<hbm>>)
      tpu.yield
    }) : () -> ()
    return
  }
}

module attributes {stable_mosaic.version = 14 : i64} {
  func.func @body(%arg0: memref<5000x128xf32, #tpu.memory_space<vmem>>, %arg1: memref<5000x128xf32, #tpu.memory_space<vmem>>, %arg2: memref<128x128xf32, #tpu.memory_space<vmem>>, %arg3: memref<128xf32, #tpu.memory_space<vmem>>, %arg4: memref<128x128xf32, #tpu.memory_space<vmem>>, %arg5: memref<128xf32, #tpu.memory_space<vmem>>, %arg6: memref<5000x128xf32, #tpu.memory_space<vmem>>, %arg7: memref<5000x128xf32, #tpu.memory_space<vmem>>) attributes {dimension_semantics = [], scalar_prefetch = 0 : i64, scratch_operands = 0 : i64, tpu.core_type = #tpu.core_type<tc>} {
    %get3A = arith.constant 0 : index
    %get3A_0 = arith.constant 0 : index
    %get3A_1 = vector.load %arg0[%get3A, %get3A_0] : memref<5000x128xf32, #tpu.memory_space<vmem>>, vector<5000x128xf32>
    %get3A_2 = arith.constant 0 : index
    %get3A_3 = arith.constant 0 : index
    %get3A_4 = vector.load %arg2[%get3A_2, %get3A_3] : memref<128x128xf32, #tpu.memory_space<vmem>>, vector<128x128xf32>
    %dot_general3A = arith.constant dense<0.000000e+00> : vector<5000x128xf32>
    %dot_general3A_5 = tpu.matmul %get3A_1, %get3A_4, %dot_general3A {dimension_numbers = #tpu.dot_dimension_numbers<[1], [0], [0], [1], [0, 0, 1, 1], [], []>, transpose_lhs_hint = false} : vector<5000x128xf32>, vector<128x128xf32>, vector<5000x128xf32> -> vector<5000x128xf32>
    %get3A_6 = arith.constant 0 : index
    %get3A_7 = vector.load %arg3[%get3A_6] : memref<128xf32, #tpu.memory_space<vmem>>, vector<128xf32>
    %broadcast_in_dim3A = vector.shape_cast %get3A_7 : vector<128xf32> to vector<1x128xf32>
    %add3A = vector.broadcast %broadcast_in_dim3A : vector<1x128xf32> to vector<5000x128xf32>
    %add3A_8 = arith.addf %dot_general3A_5, %add3A : vector<5000x128xf32>
    %max3A = arith.constant 0.000000e+00 : f32
    %max3A_9 = vector.broadcast %max3A : f32 to vector<5000x128xf32>
    %max3A_10 = arith.maximumf %add3A_8, %max3A_9 : vector<5000x128xf32>
    %swap3A = arith.constant 0 : index
    %swap3A_11 = arith.constant 0 : index
    %swap3A_12 = vector.load %arg6[%swap3A, %swap3A_11] : memref<5000x128xf32, #tpu.memory_space<vmem>>, vector<5000x128xf32>
    tpu.vector_store %arg6[%swap3A, %swap3A_11], %max3A_10 {strides = array<i32>} : memref<5000x128xf32, #tpu.memory_space<vmem>>, vector<5000x128xf32>,
    %get3A_13 = arith.constant 0 : index
    %get3A_14 = arith.constant 0 : index
    %get3A_15 = vector.load %arg1[%get3A_13, %get3A_14] : memref<5000x128xf32, #tpu.memory_space<vmem>>, vector<5000x128xf32>
    %get3A_16 = arith.constant 0 : index
    %get3A_17 = arith.constant 0 : index
    %get3A_18 = vector.load %arg4[%get3A_16, %get3A_17] : memref<128x128xf32, #tpu.memory_space<vmem>>, vector<128x128xf32>
    %dot_general3A_19 = arith.constant dense<0.000000e+00> : vector<5000x128xf32>
    %dot_general3A_20 = tpu.matmul %get3A_15, %get3A_18, %dot_general3A_19 {dimension_numbers = #tpu.dot_dimension_numbers<[1], [0], [0], [1], [0, 0, 1, 1], [], []>, transpose_lhs_hint = false} : vector<5000x128xf32>, vector<128x128xf32>, vector<5000x128xf32> -> vector<5000x128xf32>
    %get3A_21 = arith.constant 0 : index
    %get3A_22 = vector.load %arg5[%get3A_21] : memref<128xf32, #tpu.memory_space<vmem>>, vector<128xf32>
    %broadcast_in_dim3A_23 = vector.shape_cast %get3A_22 : vector<128xf32> to vector<1x128xf32>
    %add3A_24 = vector.broadcast %broadcast_in_dim3A_23 : vector<1x128xf32> to vector<5000x128xf32>
    %add3A_25 = arith.addf %dot_general3A_20, %add3A_24 : vector<5000x128xf32>
    %max3A_26 = arith.constant 0.000000e+00 : f32
    %max3A_27 = vector.broadcast %max3A_26 : f32 to vector<5000x128xf32>
    %max3A_28 = arith.maximumf %add3A_25, %max3A_27 : vector<5000x128xf32>
    %swap3A_29 = arith.constant 0 : index
    %swap3A_30 = arith.constant 0 : index
    %swap3A_31 = vector.load %arg7[%swap3A_29, %swap3A_30] : memref<5000x128xf32, #tpu.memory_space<vmem>>, vector<5000x128xf32>
    tpu.vector_store %arg7[%swap3A_29, %swap3A_30], %max3A_28 {strides = array<i32>} : memref<5000x128xf32, #tpu.memory_space<vmem>>, vector<5000x128xf32>,
    return
  }
}

module attributes {stable_mosaic.version = 14 : i64} {
  func.func @body(%arg0: memref<32x10000xf32, #tpu.memory_space<vmem>>, %arg1: memref<5000x128xf32, #tpu.memory_space<vmem>>, %arg2: memref<5000x128xf32, #tpu.memory_space<vmem>>, %arg3: memref<10016x128xf32, #tpu.memory_space<vmem>>) attributes {dimension_semantics = [], scalar_prefetch = 0 : i64, scratch_operands = 0 : i64, tpu.core_type = #tpu.core_type<tc>} {
    %get3A = arith.constant 0 : index
    %get3A_0 = arith.constant 0 : index
    %get3A_1 = vector.load %arg0[%get3A, %get3A_0] : memref<32x10000xf32, #tpu.memory_space<vmem>>, vector<32x10000xf32>
    %reduce_sum3A = arith.constant dense<0.000000e+00> : vector<10000xf32>
    %reduce_sum3A_2 = vector.multi_reduction <add>, %get3A_1, %reduce_sum3A [0] : vector<32x10000xf32> to vector<10000xf32>
    %max3A = arith.constant 1.000000e+00 : f32
    %max3A_3 = vector.broadcast %max3A : f32 to vector<10000xf32>
    %max3A_4 = arith.maximumf %reduce_sum3A_2, %max3A_3 : vector<10000xf32>
    %rsqrt3A = math.rsqrt %max3A_4 : vector<10000xf32>
    %get3A_5 = arith.constant 0 : index
    %get3A_6 = arith.constant 0 : index
    %get3A_7 = vector.load %arg1[%get3A_5, %get3A_6] : memref<5000x128xf32, #tpu.memory_space<vmem>>, vector<5000x128xf32>
    %get3A_8 = arith.constant 0 : index
    %get3A_9 = arith.constant 0 : index
    %get3A_10 = vector.load %arg2[%get3A_8, %get3A_9] : memref<5000x128xf32, #tpu.memory_space<vmem>>, vector<5000x128xf32>
    %concatenate3A = tpu.concatenate %get3A_7, %get3A_10 in 0 : vector<5000x128xf32>, vector<5000x128xf32> -> vector<10000x128xf32>
    %broadcast_in_dim3A = vector.shape_cast %rsqrt3A : vector<10000xf32> to vector<10000x1xf32>
    %mul3A = vector.broadcast %broadcast_in_dim3A : vector<10000x1xf32> to vector<10000x128xf32>
    %mul3A_11 = arith.mulf %concatenate3A, %mul3A : vector<10000x128xf32>
    %broadcast_in_dim3A_12 = arith.constant 0.000000e+00 : f32
    %broadcast_in_dim3A_13 = vector.broadcast %broadcast_in_dim3A_12 : f32 to vector<16x128xf32>
    %concatenate3A_14 = tpu.concatenate %mul3A_11, %broadcast_in_dim3A_13 in 0 : vector<10000x128xf32>, vector<16x128xf32> -> vector<10016x128xf32>
    %swap3A = arith.constant 0 : index
    %swap3A_15 = arith.constant 0 : index
    %swap3A_16 = vector.load %arg3[%swap3A, %swap3A_15] : memref<10016x128xf32, #tpu.memory_space<vmem>>, vector<10016x128xf32>
    tpu.vector_store %arg3[%swap3A, %swap3A_15], %concatenate3A_14 {strides = array<i32>} : memref<10016x128xf32, #tpu.memory_space<vmem>>, vector<10016x128xf32>,
    return
  }
}

module attributes {stable_mosaic.version = 14 : i64} {
  func.func @body(%arg0: memref<2x10000x128xf32, #tpu.memory_space<vmem>>, %arg1: memref<32x10000xf32, #tpu.memory_space<vmem>>, %arg2: memref<32x10000xf32, #tpu.memory_space<vmem>>, %arg3: memref<5000x128xf32, #tpu.memory_space<vmem>>, %arg4: memref<5000x128xf32, #tpu.memory_space<vmem>>, %arg5: memref<5000x128xf32, #tpu.memory_space<vmem>>, %arg6: memref<5000x128xf32, #tpu.memory_space<vmem>>, %arg7: memref<10016x128xf32, #tpu.memory_space<vmem>>) attributes {dimension_semantics = [], scalar_prefetch = 0 : i64, scratch_operands = 0 : i64, tpu.core_type = #tpu.core_type<tc>} {
    %get3A = arith.constant 0 : index
    %get3A_0 = arith.constant 0 : index
    %get3A_1 = vector.load %arg2[%get3A, %get3A_0] : memref<32x10000xf32, #tpu.memory_space<vmem>>, vector<32x10000xf32>
    %reduce_sum3A = arith.constant dense<0.000000e+00> : vector<10000xf32>
    %reduce_sum3A_2 = vector.multi_reduction <add>, %get3A_1, %reduce_sum3A [0] : vector<32x10000xf32> to vector<10000xf32>
    %max3A = arith.constant 1.000000e+00 : f32
    %max3A_3 = vector.broadcast %max3A : f32 to vector<10000xf32>
    %max3A_4 = arith.maximumf %reduce_sum3A_2, %max3A_3 : vector<10000xf32>
    %rsqrt3A = math.rsqrt %max3A_4 : vector<10000xf32>
    %get3A_5 = arith.constant 0 : index
    %get3A_6 = arith.constant 0 : index
    %get3A_7 = arith.constant 0 : index
    %get3A_8 = vector.load %arg0[%get3A_5, %get3A_6, %get3A_7] : memref<2x10000x128xf32, #tpu.memory_space<vmem>>, vector<1x10000x128xf32>
    %get3A_9 = vector.shape_cast %get3A_8 : vector<1x10000x128xf32> to vector<10000x128xf32>
    %get3A_10 = arith.constant 1 : index
    %get3A_11 = arith.constant 0 : index
    %get3A_12 = arith.constant 0 : index
    %get3A_13 = vector.load %arg0[%get3A_10, %get3A_11, %get3A_12] : memref<2x10000x128xf32, #tpu.memory_space<vmem>>, vector<1x10000x128xf32>
    %get3A_14 = vector.shape_cast %get3A_13 : vector<1x10000x128xf32> to vector<10000x128xf32>
    %add3A = arith.addf %get3A_9, %get3A_14 : vector<10000x128xf32>
    %broadcast_in_dim3A = vector.shape_cast %rsqrt3A : vector<10000xf32> to vector<10000x1xf32>
    %mul3A = vector.broadcast %broadcast_in_dim3A : vector<10000x1xf32> to vector<10000x128xf32>
    %mul3A_15 = arith.mulf %add3A, %mul3A : vector<10000x128xf32>
    %get3A_16 = arith.constant 0 : index
    %get3A_17 = arith.constant 0 : index
    %get3A_18 = vector.load %arg3[%get3A_16, %get3A_17] : memref<5000x128xf32, #tpu.memory_space<vmem>>, vector<5000x128xf32>
    %slice3A = vector.extract_strided_slice %mul3A_15 {offsets = [0, 0], sizes = [5000, 128], strides = [1, 1]} : vector<10000x128xf32> to vector<5000x128xf32>
    %mul3A_19 = arith.constant 5.000000e-01 : f32
    %mul3A_20 = vector.broadcast %mul3A_19 : f32 to vector<5000x128xf32>
    %mul3A_21 = arith.mulf %slice3A, %mul3A_20 : vector<5000x128xf32>
    %add3A_22 = arith.addf %get3A_18, %mul3A_21 : vector<5000x128xf32>
    %swap3A = arith.constant 0 : index
    %swap3A_23 = arith.constant 0 : index
    %swap3A_24 = vector.load %arg5[%swap3A, %swap3A_23] : memref<5000x128xf32, #tpu.memory_space<vmem>>, vector<5000x128xf32>
    tpu.vector_store %arg5[%swap3A, %swap3A_23], %add3A_22 {strides = array<i32>} : memref<5000x128xf32, #tpu.memory_space<vmem>>, vector<5000x128xf32>,
    %get3A_25 = arith.constant 0 : index
    %get3A_26 = arith.constant 0 : index
    %get3A_27 = vector.load %arg4[%get3A_25, %get3A_26] : memref<5000x128xf32, #tpu.memory_space<vmem>>, vector<5000x128xf32>
    %slice3A_28 = vector.extract_strided_slice %mul3A_15 {offsets = [5000, 0], sizes = [5000, 128], strides = [1, 1]} : vector<10000x128xf32> to vector<5000x128xf32>
    %mul3A_29 = arith.constant 5.000000e-01 : f32
    %mul3A_30 = vector.broadcast %mul3A_29 : f32 to vector<5000x128xf32>
    %mul3A_31 = arith.mulf %slice3A_28, %mul3A_30 : vector<5000x128xf32>
    %add3A_32 = arith.addf %get3A_27, %mul3A_31 : vector<5000x128xf32>
    %swap3A_33 = arith.constant 0 : index
    %swap3A_34 = arith.constant 0 : index
    %swap3A_35 = vector.load %arg6[%swap3A_33, %swap3A_34] : memref<5000x128xf32, #tpu.memory_space<vmem>>, vector<5000x128xf32>
    tpu.vector_store %arg6[%swap3A_33, %swap3A_34], %add3A_32 {strides = array<i32>} : memref<5000x128xf32, #tpu.memory_space<vmem>>, vector<5000x128xf32>,
    %get3A_36 = arith.constant 0 : index
    %get3A_37 = arith.constant 0 : index
    %get3A_38 = vector.load %arg1[%get3A_36, %get3A_37] : memref<32x10000xf32, #tpu.memory_space<vmem>>, vector<32x10000xf32>
    %reduce_sum3A_39 = arith.constant dense<0.000000e+00> : vector<10000xf32>
    %reduce_sum3A_40 = vector.multi_reduction <add>, %get3A_38, %reduce_sum3A_39 [0] : vector<32x10000xf32> to vector<10000xf32>
    %max3A_41 = arith.constant 1.000000e+00 : f32
    %max3A_42 = vector.broadcast %max3A_41 : f32 to vector<10000xf32>
    %max3A_43 = arith.maximumf %reduce_sum3A_40, %max3A_42 : vector<10000xf32>
    %rsqrt3A_44 = math.rsqrt %max3A_43 : vector<10000xf32>
    %broadcast_in_dim3A_45 = vector.shape_cast %rsqrt3A_44 : vector<10000xf32> to vector<10000x1xf32>
    %mul3A_46 = vector.broadcast %broadcast_in_dim3A_45 : vector<10000x1xf32> to vector<10000x128xf32>
    %mul3A_47 = arith.mulf %mul3A_15, %mul3A_46 : vector<10000x128xf32>
    %broadcast_in_dim3A_48 = arith.constant 0.000000e+00 : f32
    %broadcast_in_dim3A_49 = vector.broadcast %broadcast_in_dim3A_48 : f32 to vector<16x128xf32>
    %concatenate3A = tpu.concatenate %mul3A_47, %broadcast_in_dim3A_49 in 0 : vector<10000x128xf32>, vector<16x128xf32> -> vector<10016x128xf32>
    %swap3A_50 = arith.constant 0 : index
    %swap3A_51 = arith.constant 0 : index
    %swap3A_52 = vector.load %arg7[%swap3A_50, %swap3A_51] : memref<10016x128xf32, #tpu.memory_space<vmem>>, vector<10016x128xf32>
    tpu.vector_store %arg7[%swap3A_50, %swap3A_51], %concatenate3A {strides = array<i32>} : memref<10016x128xf32, #tpu.memory_space<vmem>>, vector<10016x128xf32>,
    return
  }
}

module attributes {stable_mosaic.version = 14 : i64} {
  func.func @body(%arg0: memref<2x10000x128xf32, #tpu.memory_space<vmem>>, %arg1: memref<32x10000xf32, #tpu.memory_space<vmem>>, %arg2: memref<5000x128xf32, #tpu.memory_space<vmem>>, %arg3: memref<5000x128xf32, #tpu.memory_space<vmem>>, %arg4: memref<5000x128xf32, #tpu.memory_space<vmem>>, %arg5: memref<5000x128xf32, #tpu.memory_space<vmem>>, %arg6: memref<5000x128xf32, #tpu.memory_space<vmem>>) attributes {dimension_semantics = [], scalar_prefetch = 0 : i64, scratch_operands = 0 : i64, tpu.core_type = #tpu.core_type<tc>} {
    %get3A = arith.constant 0 : index
    %get3A_0 = arith.constant 0 : index
    %get3A_1 = vector.load %arg1[%get3A, %get3A_0] : memref<32x10000xf32, #tpu.memory_space<vmem>>, vector<32x10000xf32>
    %reduce_sum3A = arith.constant dense<0.000000e+00> : vector<10000xf32>
    %reduce_sum3A_2 = vector.multi_reduction <add>, %get3A_1, %reduce_sum3A [0] : vector<32x10000xf32> to vector<10000xf32>
    %max3A = arith.constant 1.000000e+00 : f32
    %max3A_3 = vector.broadcast %max3A : f32 to vector<10000xf32>
    %max3A_4 = arith.maximumf %reduce_sum3A_2, %max3A_3 : vector<10000xf32>
    %rsqrt3A = math.rsqrt %max3A_4 : vector<10000xf32>
    %get3A_5 = arith.constant 0 : index
    %get3A_6 = arith.constant 0 : index
    %get3A_7 = arith.constant 0 : index
    %get3A_8 = vector.load %arg0[%get3A_5, %get3A_6, %get3A_7] : memref<2x10000x128xf32, #tpu.memory_space<vmem>>, vector<1x10000x128xf32>
    %get3A_9 = vector.shape_cast %get3A_8 : vector<1x10000x128xf32> to vector<10000x128xf32>
    %get3A_10 = arith.constant 1 : index
    %get3A_11 = arith.constant 0 : index
    %get3A_12 = arith.constant 0 : index
    %get3A_13 = vector.load %arg0[%get3A_10, %get3A_11, %get3A_12] : memref<2x10000x128xf32, #tpu.memory_space<vmem>>, vector<1x10000x128xf32>
    %get3A_14 = vector.shape_cast %get3A_13 : vector<1x10000x128xf32> to vector<10000x128xf32>
    %add3A = arith.addf %get3A_9, %get3A_14 : vector<10000x128xf32>
    %broadcast_in_dim3A = vector.shape_cast %rsqrt3A : vector<10000xf32> to vector<10000x1xf32>
    %mul3A = vector.broadcast %broadcast_in_dim3A : vector<10000x1xf32> to vector<10000x128xf32>
    %mul3A_15 = arith.mulf %add3A, %mul3A : vector<10000x128xf32>
    %get3A_16 = arith.constant 0 : index
    %get3A_17 = arith.constant 0 : index
    %get3A_18 = vector.load %arg2[%get3A_16, %get3A_17] : memref<5000x128xf32, #tpu.memory_space<vmem>>, vector<5000x128xf32>
    %slice3A = vector.extract_strided_slice %mul3A_15 {offsets = [0, 0], sizes = [5000, 128], strides = [1, 1]} : vector<10000x128xf32> to vector<5000x128xf32>
    %mul3A_19 = arith.constant 0.333333343 : f32
    %mul3A_20 = vector.broadcast %mul3A_19 : f32 to vector<5000x128xf32>
    %mul3A_21 = arith.mulf %slice3A, %mul3A_20 : vector<5000x128xf32>
    %add3A_22 = arith.addf %get3A_18, %mul3A_21 : vector<5000x128xf32>
    %swap3A = arith.constant 0 : index
    %swap3A_23 = arith.constant 0 : index
    %swap3A_24 = vector.load %arg5[%swap3A, %swap3A_23] : memref<5000x128xf32, #tpu.memory_space<vmem>>, vector<5000x128xf32>
    tpu.vector_store %arg5[%swap3A, %swap3A_23], %add3A_22 {strides = array<i32>} : memref<5000x128xf32, #tpu.memory_space<vmem>>, vector<5000x128xf32>,
    %get3A_25 = arith.constant 0 : index
    %get3A_26 = arith.constant 0 : index
    %get3A_27 = vector.load %arg3[%get3A_25, %get3A_26] : memref<5000x128xf32, #tpu.memory_space<vmem>>, vector<5000x128xf32>
    %slice3A_28 = vector.extract_strided_slice %mul3A_15 {offsets = [5000, 0], sizes = [5000, 128], strides = [1, 1]} : vector<10000x128xf32> to vector<5000x128xf32>
    %mul3A_29 = arith.constant 0.333333343 : f32
    %mul3A_30 = vector.broadcast %mul3A_29 : f32 to vector<5000x128xf32>
    %mul3A_31 = arith.mulf %slice3A_28, %mul3A_30 : vector<5000x128xf32>
    %add3A_32 = arith.addf %get3A_27, %mul3A_31 : vector<5000x128xf32>
    %get3A_33 = arith.constant 0 : index
    %get3A_34 = arith.constant 0 : index
    %get3A_35 = vector.load %arg4[%get3A_33, %get3A_34] : memref<5000x128xf32, #tpu.memory_space<vmem>>, vector<5000x128xf32>
    %add3A_36 = arith.addf %add3A_32, %get3A_35 : vector<5000x128xf32>
    %swap3A_37 = arith.constant 0 : index
    %swap3A_38 = arith.constant 0 : index
    %swap3A_39 = vector.load %arg6[%swap3A_37, %swap3A_38] : memref<5000x128xf32, #tpu.memory_space<vmem>>, vector<5000x128xf32>
    tpu.vector_store %arg6[%swap3A_37, %swap3A_38], %add3A_36 {strides = array<i32>} : memref<5000x128xf32, #tpu.memory_space<vmem>>, vector<5000x128xf32>,
    return
  }
}

module attributes {stable_mosaic.version = 14 : i64} {
  func.func @body(%arg0: memref<3x8192x128xf32, #tpu.memory_space<vmem>>, %arg1: memref<16384xf32, #tpu.memory_space<vmem>>, %arg2: memref<16384xf32, #tpu.memory_space<vmem>>, %arg3: memref<129x64xf32, #tpu.memory_space<vmem>>, %arg4: memref<64xf32, #tpu.memory_space<vmem>>, %arg5: memref<64x1xf32, #tpu.memory_space<vmem>>, %arg6: memref<16384xf32, #tpu.memory_space<vmem>>, %arg7: memref<16384xf32, #tpu.memory_space<vmem>>) attributes {dimension_semantics = [], scalar_prefetch = 0 : i64, scratch_operands = 0 : i64, tpu.core_type = #tpu.core_type<tc>} {
    %get3A = arith.constant 0 : index
    %get3A_0 = arith.constant 0 : index
    %get3A_1 = arith.constant 0 : index
    %get3A_2 = vector.load %arg0[%get3A, %get3A_0, %get3A_1] : memref<3x8192x128xf32, #tpu.memory_space<vmem>>, vector<1x8192x128xf32>
    %get3A_3 = vector.shape_cast %get3A_2 : vector<1x8192x128xf32> to vector<8192x128xf32>
    %get3A_4 = arith.constant 1 : index
    %get3A_5 = arith.constant 0 : index
    %get3A_6 = arith.constant 0 : index
    %get3A_7 = vector.load %arg0[%get3A_4, %get3A_5, %get3A_6] : memref<3x8192x128xf32, #tpu.memory_space<vmem>>, vector<1x8192x128xf32>
    %get3A_8 = vector.shape_cast %get3A_7 : vector<1x8192x128xf32> to vector<8192x128xf32>
    %mul3A = arith.mulf %get3A_3, %get3A_8 : vector<8192x128xf32>
    %get3A_9 = arith.constant 2 : index
    %get3A_10 = arith.constant 0 : index
    %get3A_11 = arith.constant 0 : index
    %get3A_12 = vector.load %arg0[%get3A_9, %get3A_10, %get3A_11] : memref<3x8192x128xf32, #tpu.memory_space<vmem>>, vector<1x8192x128xf32>
    %get3A_13 = vector.shape_cast %get3A_12 : vector<1x8192x128xf32> to vector<8192x128xf32>
    %mul3A_14 = arith.mulf %get3A_3, %get3A_13 : vector<8192x128xf32>
    %concatenate3A = tpu.concatenate %mul3A, %mul3A_14 in 0 : vector<8192x128xf32>, vector<8192x128xf32> -> vector<16384x128xf32>
    %get3A_15 = arith.constant 0 : index
    %get3A_16 = arith.constant 0 : index
    %get3A_17 = vector.load %arg3[%get3A_15, %get3A_16] : memref<129x64xf32, #tpu.memory_space<vmem>>, vector<128x64xf32>
    %get3A_18 = arith.constant 128 : index
    %get3A_19 = arith.constant 0 : index
    %get3A_20 = vector.load %arg3[%get3A_18, %get3A_19] : memref<129x64xf32, #tpu.memory_space<vmem>>, vector<1x64xf32>
    %get3A_21 = vector.shape_cast %get3A_20 : vector<1x64xf32> to vector<64xf32>
    %dot_general3A = arith.constant dense<0.000000e+00> : vector<16384x64xf32>
    %dot_general3A_22 = tpu.matmul %concatenate3A, %get3A_17, %dot_general3A {dimension_numbers = #tpu.dot_dimension_numbers<[1], [0], [0], [1], [0, 0, 1, 1], [], []>, transpose_lhs_hint = false} : vector<16384x128xf32>, vector<128x64xf32>, vector<16384x64xf32> -> vector<16384x64xf32>
    %get3A_23 = arith.constant 0 : index
    %get3A_24 = vector.load %arg4[%get3A_23] : memref<64xf32, #tpu.memory_space<vmem>>, vector<64xf32>
    %broadcast_in_dim3A = vector.shape_cast %get3A_24 : vector<64xf32> to vector<1x64xf32>
    %add3A = vector.broadcast %broadcast_in_dim3A : vector<1x64xf32> to vector<16384x64xf32>
    %add3A_25 = arith.addf %dot_general3A_22, %add3A : vector<16384x64xf32>
    %get3A_26 = arith.constant 0 : index
    %get3A_27 = vector.load %arg1[%get3A_26] : memref<16384xf32, #tpu.memory_space<vmem>>, vector<16384xf32>
    %broadcast_in_dim3A_28 = vector.shape_cast %get3A_27 : vector<16384xf32> to vector<16384x1xf32>
    %broadcast_in_dim3A_29 = vector.shape_cast %get3A_21 : vector<64xf32> to vector<1x64xf32>
    %mul3A_30 = vector.broadcast %broadcast_in_dim3A_28 : vector<16384x1xf32> to vector<16384x64xf32>
    %mul3A_31 = vector.broadcast %broadcast_in_dim3A_29 : vector<1x64xf32> to vector<16384x64xf32>
    %mul3A_32 = arith.mulf %mul3A_30, %mul3A_31 : vector<16384x64xf32>
    %add3A_33 = arith.addf %add3A_25, %mul3A_32 : vector<16384x64xf32>
    %gt3A = arith.constant 0.000000e+00 : f32
    %gt3A_34 = vector.broadcast %gt3A : f32 to vector<16384x64xf32>
    %gt3A_35 = arith.cmpf ogt, %add3A_33, %gt3A_34 : vector<16384x64xf32>
    %min3A = arith.constant 0.000000e+00 : f32
    %min3A_36 = vector.broadcast %min3A : f32 to vector<16384x64xf32>
    %min3A_37 = arith.minimumf %add3A_33, %min3A_36 : vector<16384x64xf32>
    %exp3A = math.exp %min3A_37 : vector<16384x64xf32>
    %sub3A = arith.constant 1.000000e+00 : f32
    %sub3A_38 = vector.broadcast %sub3A : f32 to vector<16384x64xf32>
    %sub3A_39 = arith.subf %exp3A, %sub3A_38 : vector<16384x64xf32>
    %select_n3A = arith.select %gt3A_35, %add3A_33, %sub3A_39 : vector<16384x64xi1>, vector<16384x64xf32>
    %get3A_40 = arith.constant 0 : index
    %get3A_41 = arith.constant 0 : index
    %get3A_42 = vector.load %arg5[%get3A_40, %get3A_41] : memref<64x1xf32, #tpu.memory_space<vmem>>, vector<64x1xf32>
    %dot_general3A_43 = arith.constant dense<0.000000e+00> : vector<16384x1xf32>
    %dot_general3A_44 = tpu.matmul %select_n3A, %get3A_42, %dot_general3A_43 {dimension_numbers = #tpu.dot_dimension_numbers<[1], [0], [0], [1], [0, 0, 1, 1], [], []>, transpose_lhs_hint = false} : vector<16384x64xf32>, vector<64x1xf32>, vector<16384x1xf32> -> vector<16384x1xf32>
    %squeeze3A = vector.shape_cast %dot_general3A_44 : vector<16384x1xf32> to vector<16384xf32>
    %swap3A = arith.constant 0 : index
    %swap3A_45 = vector.load %arg6[%swap3A] : memref<16384xf32, #tpu.memory_space<vmem>>, vector<16384xf32>
    tpu.vector_store %arg6[%swap3A], %squeeze3A {strides = array<i32>} : memref<16384xf32, #tpu.memory_space<vmem>>, vector<16384xf32>,
    %get3A_46 = arith.constant 0 : index
    %get3A_47 = vector.load %arg2[%get3A_46] : memref<16384xf32, #tpu.memory_space<vmem>>, vector<16384xf32>
    %broadcast_in_dim3A_48 = vector.shape_cast %get3A_47 : vector<16384xf32> to vector<16384x1xf32>
    %broadcast_in_dim3A_49 = vector.shape_cast %get3A_21 : vector<64xf32> to vector<1x64xf32>
    %mul3A_50 = vector.broadcast %broadcast_in_dim3A_48 : vector<16384x1xf32> to vector<16384x64xf32>
    %mul3A_51 = vector.broadcast %broadcast_in_dim3A_49 : vector<1x64xf32> to vector<16384x64xf32>
    %mul3A_52 = arith.mulf %mul3A_50, %mul3A_51 : vector<16384x64xf32>
    %add3A_53 = arith.addf %add3A_25, %mul3A_52 : vector<16384x64xf32>
    %gt3A_54 = arith.constant 0.000000e+00 : f32
    %gt3A_55 = vector.broadcast %gt3A_54 : f32 to vector<16384x64xf32>
    %gt3A_56 = arith.cmpf ogt, %add3A_53, %gt3A_55 : vector<16384x64xf32>
    %min3A_57 = arith.constant 0.000000e+00 : f32
    %min3A_58 = vector.broadcast %min3A_57 : f32 to vector<16384x64xf32>
    %min3A_59 = arith.minimumf %add3A_53, %min3A_58 : vector<16384x64xf32>
    %exp3A_60 = math.exp %min3A_59 : vector<16384x64xf32>
    %sub3A_61 = arith.constant 1.000000e+00 : f32
    %sub3A_62 = vector.broadcast %sub3A_61 : f32 to vector<16384x64xf32>
    %sub3A_63 = arith.subf %exp3A_60, %sub3A_62 : vector<16384x64xf32>
    %select_n3A_64 = arith.select %gt3A_56, %add3A_53, %sub3A_63 : vector<16384x64xi1>, vector<16384x64xf32>
    %get3A_65 = arith.constant 0 : index
    %get3A_66 = arith.constant 0 : index
    %get3A_67 = vector.load %arg5[%get3A_65, %get3A_66] : memref<64x1xf32, #tpu.memory_space<vmem>>, vector<64x1xf32>
    %dot_general3A_68 = arith.constant dense<0.000000e+00> : vector<16384x1xf32>
    %dot_general3A_69 = tpu.matmul %select_n3A_64, %get3A_67, %dot_general3A_68 {dimension_numbers = #tpu.dot_dimension_numbers<[1], [0], [0], [1], [0, 0, 1, 1], [], []>, transpose_lhs_hint = false} : vector<16384x64xf32>, vector<64x1xf32>, vector<16384x1xf32> -> vector<16384x1xf32>
    %squeeze3A_70 = vector.shape_cast %dot_general3A_69 : vector<16384x1xf32> to vector<16384xf32>
    %swap3A_71 = arith.constant 0 : index
    %swap3A_72 = vector.load %arg7[%swap3A_71] : memref<16384xf32, #tpu.memory_space<vmem>>, vector<16384xf32>
    tpu.vector_store %arg7[%swap3A_71], %squeeze3A_70 {strides = array<i32>} : memref<16384xf32, #tpu.memory_space<vmem>>, vector<16384xf32>,
    return
  }
}

</mosaic_0001>

<sc_bundles>
// kernel: kernel.11.cloned.1.call-start
scs
__scs_entry_jumppad:
0x0: {  	(pc) =	sbr.rel $0x88, $3  }
0x1: {  	(tag) =	ssettag $0x0;
	lr =	simm.s32 $0x1  }
0x2: {  	[smem:$0x3F91] =	sst lr;
	_ =	strace $0xD0000000  }
0x3: {  	_ = 	snop  }
0x4: {  	_ = 	snop  }
0x5: {  	_ = 	snop  }
0x6: {  	_ = 	snop  }
0x7: {  	_ = 	snop  }
__scs_overlays_trampoline_lowered:
0x8: {  	[smem:$0x3FA0] =	sst s0  }
0x9: {  	[smem:$0x3FA1] =	sst s1  }
0xa: {  	[smem:$0x3FA2] =	sst s2  }
0xb: {  	[smem:$0x3FA3] =	sst s3  }
0xc: {  	[smem:$0x3FA4] =	sst s4  }
0xd: {  	[smem:$0x3FA5] =	sst s5  }
0xe: {  	[smem:$0x3FA6] =	sst s6  }
0xf: {  	[smem:$0x3FA7] =	sst s7  }
0x10: {  	[smem:$0x3FA8] =	sst s8  }
0x11: {  	[smem:$0x3FA9] =	sst s9;
	s0 =	simm.s32 @!p0 $0x0  }
0x12: {  	s1 =	sld [smem:$0x3F8F];
	s0 =	simm.s32 @p0 $0x1  }
0x13: {  	[smem:$0x3FAA] =	sst s0;
	s0 =	simm.s32 @!p1 $0x0  }
0x14: {  	s2 =	sld [smem:$0x3F8E];
	s0 =	simm.s32 @p1 $0x1  }
0x15: {  	[smem:$0x3FAB] =	sst s0;
	s0 =	simm.s32 @!p2 $0x0  }
0x16: {  	s3 =	sld [smem:$0x3FDB];
	s0 =	simm.s32 @p2 $0x1  }
0x17: {  	s4 =	simm.s32 $0x1BF5;
	[smem:$0x3FAD] =	sst s0  }
0x18: {  	s0 =	sld [smem:$0x3F90];
	_ =	swait.ge [sflag:s4], $0x0  }
0x19: {  	s7 =	sld [smem:$0x3F91]  }
0x1a: {  	s8 =	sadd.s32 $0xFFFFE003, lr  }
0x1b: {  	s9 =	sadd.s32 $0xFFFFFEF7, lr;
	s5 =	simm.s32 $0xFFFFFFFF;
	p2 =	slt.u32 s8, $0xFFFFF086  }
0x1c: {  	p1 =	slt.u32 s9, $0xF7A;
	s5 =	simm.s32 @!p2 $0x0  }
0x1d: {  	s5 =	simm.s32 @p1 $0x1;
	p0 =	seq.s32 s7, s2  }
0x1e: {  	s7 =	smul.u32 @!p0 $0xF7A, s2;
	p2 =	seq.s32 @!p0 s5, $0x0  }
0x1f: {  	s9 =	smul.u32 $0xF7A, s1;
	s8 =	simm.s32 @!p0 $0x1BF5;
	p2 =	por !p2, p0  }
0x20: {  	[sflag:s8] =	ssyncset.s32 @!p0 $0xFFFFF086;
	s6 =	sadd.s32 @!p0 s3, s7;
	s7 =	simm.s32 @!p0 $0x108  }
0x21: {  	s3 =	sadd.s32 s3, s9;
	s6 =	sadd.s32 @!p0 $0x88, s6;
	s7 =	simm.s32 @p2 $0x1082  }
0x22: {  	[simem:s7], [sflag:s8] =	dma.local @!p0 [hbm:s6], $0xF7A  }
0x23: {  	s9 =	sor.u32 $0xD0000000, s2;
	s6 =	simm.s32 $0x108;
	_ =	swait.ge @!p0 [sflag:s8], $0x0  }
0x24: {  	s3 =	sadd.s32 $0x88, s3;
	s6 =	simm.s32 @!p1 $0x1082;
	[sflag:s4] =	ssyncset.s32 $0xFFFFF086  }
0x25: {  	[simem:s6], [sflag:s4] =	dma.local [hbm:s3], $0xF7A  }
0x26: {  	[smem:$0x3F91] =	sst s1;
	(tag) =	ssettag s2;
	_ =	strace s9  }
0x27: {  	s1 =	sld [smem:$0x3FA1]  }
0x28: {  	s2 =	sld [smem:$0x3FA2]  }
0x29: {  	s4 =	sld [smem:$0x3FA4]  }
0x2a: {  	p0 =	seq.s32 s5, $0x0;
	s5 =	sld [smem:$0x3FA5]  }
0x2b: {  	s6 =	sld [smem:$0x3FA6]  }
0x2c: {  	s7 =	sld [smem:$0x3FA7]  }
0x2d: {  	s3 =	simm.s32 $0x108;
	s8 =	sld [smem:$0x3FA8]  }
0x2e: {  	s3 =	simm.s32 @!p0 $0x1082;
	s9 =	sld [smem:$0x3FA9]  }
0x2f: {  	lr =	sadd.s32 s0, s3;
	s0 =	sld [smem:$0x3FA0]  }
0x30: {  	s3 =	sld [smem:$0x3FA3]  }
0x31: {  	[smem:$0x3FAC] =	sst s10  }
0x32: {  	s10 =	sld [smem:$0x3FAA];
	_ =	sdelay $0x3  }
0x33: {  	p0 =	seq.s32 s10, $0x1;
	s10 =	sld [smem:$0x3FAC];
	_ =	sdelay $0x3  }
0x34: {  	[smem:$0x3FAC] =	sst s10  }
0x35: {  	s10 =	sld [smem:$0x3FAB];
	_ =	sdelay $0x3  }
0x36: {  	p1 =	seq.s32 s10, $0x1;
	s10 =	sld [smem:$0x3FAC];
	_ =	sdelay $0x3  }
0x37: {  	[smem:$0x3FAC] =	sst s10  }
0x38: {  	s10 =	sld [smem:$0x3FAD]  }
0x39: {  	_ = 	snop;
	(pc) =	sbr.ind lr, $3  }
0x3a: {  	_ = 	snop  }
0x3b: {  	_ = 	snop  }
0x3c: {  	p2 =	seq.s32 s10, $0x1;
	s10 =	sld [smem:$0x3FAC]  }
0x3d: {  	_ =	shalt  }
0x3e: {  	_ =	shalt  }
0x3f: {  	_ =	shalt  }
0x40: {  	_ =	shalt  }
0x41: {  	_ =	shalt  }
0x42: {  	_ =	shalt  }
0x43: {  	_ =	shalt  }
0x44: {  	_ =	shalt  }
0x45: {  	_ =	shalt  }
0x46: {  	_ =	shalt  }
0x47: {  	_ =	shalt  }
0x48: {  	_ =	shalt  }
0x49: {  	_ =	shalt  }
0x4a: {  	_ =	shalt  }
0x4b: {  	_ =	shalt  }
0x4c: {  	_ =	shalt  }
0x4d: {  	_ =	shalt  }
0x4e: {  	_ =	shalt  }
0x4f: {  	_ =	shalt  }
0x50: {  	_ =	shalt  }
0x51: {  	_ =	shalt  }
0x52: {  	_ =	shalt  }
0x53: {  	_ =	shalt  }
0x54: {  	_ =	shalt  }
0x55: {  	_ =	shalt  }
0x56: {  	_ =	shalt  }
0x57: {  	_ =	shalt  }
0x58: {  	_ =	shalt  }
0x59: {  	_ =	shalt  }
0x5a: {  	_ =	shalt  }
0x5b: {  	_ =	shalt  }
0x5c: {  	_ =	shalt  }
0x5d: {  	_ =	shalt  }
0x5e: {  	_ =	shalt  }
0x5f: {  	_ =	shalt  }
0x60: {  	_ =	shalt  }
0x61: {  	_ =	shalt  }
0x62: {  	_ =	shalt  }
0x63: {  	_ =	shalt  }
0x64: {  	_ =	shalt  }
0x65: {  	_ =	shalt  }
0x66: {  	_ =	shalt  }
0x67: {  	_ =	shalt  }
0x68: {  	_ =	shalt  }
0x69: {  	_ =	shalt  }
0x6a: {  	_ =	shalt  }
0x6b: {  	_ =	shalt  }
0x6c: {  	_ =	shalt  }
0x6d: {  	_ =	shalt  }
0x6e: {  	_ =	shalt  }
0x6f: {  	_ =	shalt  }
0x70: {  	_ =	shalt  }
0x71: {  	_ =	shalt  }
0x72: {  	_ =	shalt  }
0x73: {  	_ =	shalt  }
0x74: {  	_ =	shalt  }
0x75: {  	_ =	shalt  }
0x76: {  	_ =	shalt  }
0x77: {  	_ =	shalt  }
0x78: {  	_ =	shalt  }
0x79: {  	_ =	shalt  }
0x7a: {  	_ =	shalt  }
0x7b: {  	_ =	shalt  }
0x7c: {  	_ =	shalt  }
0x7d: {  	_ =	shalt  }
0x7e: {  	_ =	shalt  }
0x7f: {  	_ =	shalt  }
0x80: {  	_ =	shalt  }
0x81: {  	_ =	shalt  }
0x82: {  	_ =	shalt  }
0x83: {  	_ =	shalt  }
0x84: {  	_ =	shalt  }
0x85: {  	_ =	shalt  }
0x86: {  	_ =	shalt  }
0x87: {  	_ =	shalt  }
.Lfunc_end0:
.L_simem_size_0:
called_computation_lowered:
.L_overlay_start_0:
0x88: {  	s2 =	sld [smem:$0x3FD9]  }
0x89: {  	s3 =	sld [smem:$0x3FFE];
	_ =	sdelay $0x1  }
0x8a: {  	s1 =	srdreg.scid  }
0x8b: {  	s0 =	sand.u32 $0x1, s1  }
0x8c: {  	s14 =	sshll.u32 s0, $0xA;
	s2 =	sadd.s32 s3, s2  }
0x8d: {  	s2 =	sadd.s32 s2, s14  }
0x8e: {  	[smem:$0x3FB8] =	sst s2  }
0x8f: {  	_ = 	snop  }
0x90: {  	s2 =	sld [smem:$0x3FD0];
	_ =	sdelay $0x2  }
0x91: {  	s15 =	simm.s32 $0xA;
	s4 =	simm.s32 $0x10  }
0x92: {  	[smem:s4], [sflag:s15] =	dma.local [hbm:s2], $0x1  }
0x93: {  	_ =	swait.eq [sflag:s15], $0x1  }
0x94: {  	[sflag:s15] =	ssyncset.done $0x0  }
0x95: {  	s16 =	sld [smem:$0x10];
	[sflag:s15] =	ssyncadd.s32 $0xFFFFFFFF  }
0x96: {  	s17 =	sld [smem:$0x11];
	(tm) =	ssettm $0x1  }
0x97: {  	s18 =	sld [smem:$0x3FFB];
	_ =	sdelay $0x3  }
0x98: {  	_ =	strace s18  }
0x99: {  	s4 =	sld [smem:$0x3FFC];
	_ =	sdelay $0x3  }
0x9a: {  	_ =	strace s4  }
0x9b: {  	s4 =	sld [smem:$0x3FFD];
	_ =	sdelay $0x3  }
0x9c: {  	_ =	strace s4  }
0x9d: {  	_ =	strace $0x8FFFFFFF  }
0x9e: {  	s19 =	sld [smem:$0x3FDB];
	_ =	sdelay $0x1  }
0x9f: {  	s5 =	simm.s32 $_scs_section_size  }
0xa0: {  	s6 =	simm.s32 $_size__tile_overlayer_lowered;
	s7 =	simm.s32 $_tile_overlayer_lowered  }
0xa1: {  	s22 =	simm.s32 $0x1BFF;
	s21 =	sshll.u32 s7, $0x1;
	s4 =	sadd.s32 s5, s19  }
0xa2: {  	s8 =	simm.s32 $0x0;
	s20 =	sshll.u32 s6, $0x1;
	s6 =	sadd.s32 s21, s4  }
0xa3: {  	[timem:s8], [sflag:s22] =	dma.local [hbm:s6], s20  }
0xa4: {  	_ =	swait.ge [sflag:s22], s20  }
0xa5: {  	s5 =	ssub.s32 $0x0, s20;
	[sflag:s22] =	ssyncset.done $0x0  }
0xa6: {  	[sflag:s22] =	ssyncadd.s32 s5;
	_ =	sdelay $0x1  }
0xa7: {  	s23 =	simm.s32 $0x1B8B  }
0xa8: {  	_ =	swait.ge [sflag:s23], $0x1  }
0xa9: {  	[sflag:s23] =	ssyncset.done $0x0  }
0xaa: {  	s25 =	simm.s32 $0x1B8E;
	s24 =	sld [smem:$0x3FFE];
	[sflag:s23] =	ssyncadd.s32 $0xFFFFFFFF  }
0xab: {  	s26 =	simm.s32 $execute0_lowered;
	[smem:$0x3FD2] =	sst s25  }
0xac: {  	s6 =	sshll.u32 s26, $0x1;
	_ =	strace $0x80000046;
	[dreg:$0x1] =	wrdreg $0xFFFFFFFF  }
0xad: {  	s28 =	simm.s32 $_size_execute0_lowered;
	s4 =	sadd.s32 s4, s6;
	[dreg:$0x0] =	wrdreg $0x0  }
0xae: {  	s6 =	sshll.u32 s28, $0x1;
	[dreg:$0x2] =	wrdreg s4  }
0xaf: {  	[dreg:$0x3] =	wrdreg s6  }
0xb0: {  	[dreg:$0x4] =	wrdreg $0xC0  }
0xb1: {  	_ =	task [dreg:s8], $0x5FFFF  }
0xb2: {  	[dreg:$0x1] =	wrdreg $0xFFFFFFFF  }
0xb3: {  	[dreg:$0x0] =	wrdreg $0x60  }
0xb4: {  	[dreg:$0x2] =	wrdreg s24  }
0xb5: {  	[dreg:$0x3] =	wrdreg s17  }
0xb6: {  	[dreg:$0x4] =	wrdreg s16  }
0xb7: {  	[dreg:$0x5] =	wrdreg $0x9  }
0xb8: {  	_ =	task.clear_ibuf [dreg:s8], $0x6FFFF;
	_ =	strace $0x90000046  }
0xb9: {  	s29 =	simm.s32 $0x9;
	_ =	strace $0x80000048  }
0xba: {  	_ =	swait.ge [sflag:s29], $0x1  }
0xbb: {  	[sflag:s29] =	ssyncadd.s32 $0xFFFFFFFF  }
0xbc: {  	_ =	strace $0x90000048  }
0xbd: {  	_ =	sfence  }
0xbe: {  	s30 =	sld [smem:$0x0];
	_ =	sdelay $0x2  }
0xbf: {  	s31 =	sshll.u32 s1, $0xD;
	s1 =	sshrl.u32 s1, $0x2  }
0xc0: {  	s3 =	sand.u32 $0x4000, s31;
	s1 =	sadd.s32 s1, s30  }
0xc1: {  	s0 =	sor.u32 s3, s0;
	s1 =	sshll.u32 s1, $0x11  }
0xc2: {  	s0 =	sor.u32 s1, s0  }
0xc3: {  	s0 =	sadd.s32 $0x8F2B, s0  }
0xc4: {  	[sflag:s0] =	ssyncadd.remote.s32 $0x1  }
0xc5: {  	_ =	sfence.sel $0xFFFF  }
0xc6: {  	[dreg:$0x0] =	wrdreg $0xFFFFFFFF;
	(pc) =	sbr.abs _section_cstart, $3  }
0xc7: {  	[dreg:$0x1] =	wrdreg $0xFFFFFFFF  }
0xc8: {  	_ =	task.clear_ibuf [dreg:s8], $0x2FFFF;
	_ =	strace $0x9FFFFFFF  }
0xc9: {  	(tm) =	ssettm $0x7FFFFFFF  }
tec
execute0_lowered:
.L_overlay_start_1:
0x0: {  	(tag) =	ssettag $0x1  }
0x1: {  	s3 =	rddreg [dreg:$0x0]  }
0x2: {  	s5 =	rddreg [dreg:$0x1]  }
0x3: {  	s6 =	rddreg [dreg:$0x2]  }
0x4: {  	s2 =	srdreg.scid;
	s1 =	stileid.u32  }
0x5: {  	s0 =	rddreg [dreg:$0x3];
	s11 =	simm.s32 $0x7680;
	s12 =	simm.s32 $0x80  }
0x6: {  	s13 =	simm.s32 $0x400;
	s14 =	simm.s32 $0x0;
	s4 =	sand.u32 $0x1, s2  }
0x7: {  	s7 =	sshll.u32 s1, $0x1;
	s2 =	simm.s32 $0x0;
	s8 =	sshrl.u32 s1, $0x2  }
0x8: {  	s7 =	sor.u32 s4, s7;
	[smem:$0x7FF] =	sst s2;
	s8 =	smul.u32 $0x13C00, s8  }
0x9: {  	s4 =	ssub.s32 $0x2, s4;
	s9 =	sshll.u32 s7, $0x7;
	s7 =	smul.u32 $0x4E2, s7  }
0xa: {  	_ =	strace $0x80000047;
	s10 =	sshrl.u32 s4, $0x1;
	s9 =	sand.u32 $0x380, s9  }
0xb: {  	s31 =	ssub.s32 s4, s10;
	s10 =	simm.s32 $0x4F00;
	s8 =	sor.u32 s8, s9  }
0xc: {  	s7 =	sadd.s32 s7, s3;
	s9 =	simm.s32 $0x2780;
	s8 =	sshrl.u32 s8, $0x3  }
0xd: {  	s3 =	sadd.s32 $0xDA00, s7;
	s4 =	sadd.s32 $0x3C00, s7;
	s7 =	smax.u32 s31, $0x1  }
0xe: {  	v0 =	vimm.f32 $0.0e+00;
	v1 =	vimm.f32 $1.000000000e+00;
	s5 =	sadd.s32 s5, s8;
	s6 =	sadd.s32 s6, s8;
	s8 =	simm.s32 $0x1  }
.LBB2_1:
0xf: {  	[tilespmem:s2], [sflag:$0x1] =	stream.linear.gather [hbm4b:s3+s2], $0x2710, $0x38;
	[tilespmem:$0x9E00] =	vst v63  }
0x10: {  	_ =	swait.ge [sflag:s8], $0x2710  }
0x11: {  	[sflag:s8] =	ssyncset.done $0x0  }
0x12: {  	[sflag:s8] =	ssyncadd.s32 $0xFFFFD8F0  }
0x13: {  	[tilespmem:s9], [sflag:$0x1] =	stream.linear.gather [hbm4b:s4+s2], $0x2710, $0x38;
	[tilespmem:$0x9E00] =	vst v63  }
0x14: {  	_ =	swait.ge [sflag:s8], $0x2710  }
0x15: {  	[sflag:s8] =	ssyncset.done $0x0  }
0x16: {  	s15 =	simm.s32 $0x0;
	[sflag:s8] =	ssyncadd.s32 $0xFFFFD8F0  }
.LBB2_2:
0x17: {  	p0 =	sne.s32 s15, $0x9C00  }
.Ltmp0:
0x18: {  	_ = 	snop;
	(pc) =	sbr.rel @p0 .LBB2_2-.Ltmp0, $4  }
0x19: {  	_ = 	snop  }
0x1a: {  	s16 =	sshra.s32 s15, $0x2  }
0x1b: {  	[tilespmem:s16+$0x4F00] =	vst v0  }
0x1c: {  	s15 =	sadd.s32 $0x40, s15;
	[tilespmem:s16+$0x7680] =	vst v0  }
0x1d: {  	s16 =	simm.s32 $0x0;
	s15 =	simm.s32 $0x40  }
.LBB2_4:
0x1e: {  	p0 =	sne.s32 s15, $0x9C00;
	v2 =	vld [tilespmem:s16+$0x0];
	_ =	sdelay $0x7  }
0x1f: {  	[tilespmem:v2+s10+$0x0] =	vst.idx.add.f32.msk $0xffff, v1  }
0x20: {  	v2 =	vld [tilespmem:s16+$0x2780];
	_ =	sdelay $0x3  }
.Ltmp1:
0x21: {  	(pc) =	sbr.rel @p0 .LBB2_4-.Ltmp1, $2  }
0x22: {  	_ =	sdelay $0x2  }
0x23: {  	s16 =	sshra.s32 s15, $0x2;
	s15 =	sadd.s32 $0x40, s15;
	[tilespmem:v2+s11+$0x0] =	vst.idx.add.f32.msk $0xffff, v1  }
0x24: {  	v2 =	vld [tilespmem:s16+$0x0];
	_ =	sdelay $0x7  }
0x25: {  	[tilespmem:v2+s10+$0x0] =	vst.idx.add.f32.msk $0xffff, v1  }
0x26: {  	v2 =	vld [tilespmem:s16+$0x2780];
	_ =	sdelay $0x7  }
0x27: {  	[tilespmem:v2+s11+$0x0] =	vst.idx.add.f32.msk $0xffff, v1  }
0x28: {  	[hbm4b:s5+s12] =	stream.strided.scatter [tilespmem:s10], [sflag:$0x1], $0x2780, s13, s12, $0x38;
	[tilespmem:$0x9E00] =	vst v63  }
0x29: {  	s14 =	sadd.s32 $0x1, s14;
	_ =	swait.ge [sflag:s8], $0x2780  }
0x2a: {  	p0 =	sne.s32 s14, s7;
	[sflag:s8] =	ssyncset.done $0x0  }
.Ltmp2:
0x2b: {  	[sflag:s8] =	ssyncadd.s32 $0xFFFFD880;
	(pc) =	sbr.rel @p0 .LBB2_1-.Ltmp2, $4  }
0x2c: {  	[hbm4b:s6+s12] =	stream.strided.scatter [tilespmem:s11], [sflag:$0x1], $0x2780, s13, s12, $0x38;
	[tilespmem:$0x9E00] =	vst v63  }
0x2d: {  	_ =	swait.ge [sflag:s8], $0x2780  }
0x2e: {  	[sflag:s8] =	ssyncset.done $0x0  }
0x2f: {  	[sflag:s8] =	ssyncadd.s32 $0xFFFFD880  }
0x30: {  	_ =	sfence.sel $0x180000  }
0x31: {  	[bflag:$0x0] =	sbarrier.arrive $0xFFFF  }
0x32: {  	p0 =	sne.s32 s1, $0x0;
	_ =	strace $0x90000047  }
0x33: {  	s0 =	sadd.s32 @!p0 $0x100000, s0;
	[bflag:$0x2] =	sbarrier.arrive $0xFFFF  }
0x34: {  	[sflag:s0] =	ssyncadd.tile.s32 @!p0 $0x1;
	_ =	shalt  }
.Lfunc_end2:
_tile_overlayer_lowered:
.L_overlay_start_2:
0x35: {  	(tag) =	ssettag $0x2  }
0x36: {  	s0 =	rddreg [dreg:$0x0];
	s2 =	stileid.u32  }
0x37: {  	s1 =	rddreg [dreg:$0x1];
	p0 =	sne.s32 s2, $0x0  }
0x38: {  	s3 =	rddreg [dreg:$0x2];
	[bflag:$0x3] =	sbarrier.arrive $0xFFFF;
	s2 =	simm.s32 @!p0 $0x1C01  }
0x39: {  	[timem:s3], [sflag:s2] =	dma.local @!p0 [hbm:s0], s1  }
0x3a: {  	s0 =	simm.s32 @!p0 $0x1  }
0x3b: {  	_ =	swait.ge @!p0 [sflag:s0], s1  }
0x3c: {  	s1 =	ssub.s32 @!p0 $0x0, s1;
	[sflag:s0] =	ssyncset.done @!p0 $0x0  }
0x3d: {  	[sflag:s0] =	ssyncadd.s32 @!p0 s1  }
0x3e: {  	[bflag:$0x3] =	sbarrier.arrive $0xFFFF  }
0x3f: {  	_ =	shalt  }

// kernel: kernel.14.cloned.1.call-start
scs
__scs_entry_jumppad:
0x0: {  	(pc) =	sbr.rel $0x88, $3  }
0x1: {  	(tag) =	ssettag $0x0;
	lr =	simm.s32 $0x1  }
0x2: {  	[smem:$0x3F91] =	sst lr;
	_ =	strace $0xD0000000  }
0x3: {  	_ = 	snop  }
0x4: {  	_ = 	snop  }
0x5: {  	_ = 	snop  }
0x6: {  	_ = 	snop  }
0x7: {  	_ = 	snop  }
__scs_overlays_trampoline_lowered:
0x8: {  	[smem:$0x3FA0] =	sst s0  }
0x9: {  	[smem:$0x3FA1] =	sst s1  }
0xa: {  	[smem:$0x3FA2] =	sst s2  }
0xb: {  	[smem:$0x3FA3] =	sst s3  }
0xc: {  	[smem:$0x3FA4] =	sst s4  }
0xd: {  	[smem:$0x3FA5] =	sst s5  }
0xe: {  	[smem:$0x3FA6] =	sst s6  }
0xf: {  	[smem:$0x3FA7] =	sst s7  }
0x10: {  	[smem:$0x3FA8] =	sst s8  }
0x11: {  	[smem:$0x3FA9] =	sst s9;
	s0 =	simm.s32 @!p0 $0x0  }
0x12: {  	s1 =	sld [smem:$0x3F8F];
	s0 =	simm.s32 @p0 $0x1  }
0x13: {  	[smem:$0x3FAA] =	sst s0;
	s0 =	simm.s32 @!p1 $0x0  }
0x14: {  	s2 =	sld [smem:$0x3F8E];
	s0 =	simm.s32 @p1 $0x1  }
0x15: {  	[smem:$0x3FAB] =	sst s0;
	s0 =	simm.s32 @!p2 $0x0  }
0x16: {  	s3 =	sld [smem:$0x3FDB];
	s0 =	simm.s32 @p2 $0x1  }
0x17: {  	s4 =	simm.s32 $0x1BF5;
	[smem:$0x3FAD] =	sst s0  }
0x18: {  	s0 =	sld [smem:$0x3F90];
	_ =	swait.ge [sflag:s4], $0x0  }
0x19: {  	s7 =	sld [smem:$0x3F91]  }
0x1a: {  	s8 =	sadd.s32 $0xFFFFE003, lr  }
0x1b: {  	s9 =	sadd.s32 $0xFFFFFEF7, lr;
	s5 =	simm.s32 $0xFFFFFFFF;
	p2 =	slt.u32 s8, $0xFFFFF086  }
0x1c: {  	p1 =	slt.u32 s9, $0xF7A;
	s5 =	simm.s32 @!p2 $0x0  }
0x1d: {  	s5 =	simm.s32 @p1 $0x1;
	p0 =	seq.s32 s7, s2  }
0x1e: {  	s7 =	smul.u32 @!p0 $0xF7A, s2;
	p2 =	seq.s32 @!p0 s5, $0x0  }
0x1f: {  	s9 =	smul.u32 $0xF7A, s1;
	s8 =	simm.s32 @!p0 $0x1BF5;
	p2 =	por !p2, p0  }
0x20: {  	[sflag:s8] =	ssyncset.s32 @!p0 $0xFFFFF086;
	s6 =	sadd.s32 @!p0 s3, s7;
	s7 =	simm.s32 @!p0 $0x108  }
0x21: {  	s3 =	sadd.s32 s3, s9;
	s6 =	sadd.s32 @!p0 $0x88, s6;
	s7 =	simm.s32 @p2 $0x1082  }
0x22: {  	[simem:s7], [sflag:s8] =	dma.local @!p0 [hbm:s6], $0xF7A  }
0x23: {  	s9 =	sor.u32 $0xD0000000, s2;
	s6 =	simm.s32 $0x108;
	_ =	swait.ge @!p0 [sflag:s8], $0x0  }
0x24: {  	s3 =	sadd.s32 $0x88, s3;
	s6 =	simm.s32 @!p1 $0x1082;
	[sflag:s4] =	ssyncset.s32 $0xFFFFF086  }
0x25: {  	[simem:s6], [sflag:s4] =	dma.local [hbm:s3], $0xF7A  }
0x26: {  	[smem:$0x3F91] =	sst s1;
	(tag) =	ssettag s2;
	_ =	strace s9  }
0x27: {  	s1 =	sld [smem:$0x3FA1]  }
0x28: {  	s2 =	sld [smem:$0x3FA2]  }
0x29: {  	s4 =	sld [smem:$0x3FA4]  }
0x2a: {  	p0 =	seq.s32 s5, $0x0;
	s5 =	sld [smem:$0x3FA5]  }
0x2b: {  	s6 =	sld [smem:$0x3FA6]  }
0x2c: {  	s7 =	sld [smem:$0x3FA7]  }
0x2d: {  	s3 =	simm.s32 $0x108;
	s8 =	sld [smem:$0x3FA8]  }
0x2e: {  	s3 =	simm.s32 @!p0 $0x1082;
	s9 =	sld [smem:$0x3FA9]  }
0x2f: {  	lr =	sadd.s32 s0, s3;
	s0 =	sld [smem:$0x3FA0]  }
0x30: {  	s3 =	sld [smem:$0x3FA3]  }
0x31: {  	[smem:$0x3FAC] =	sst s10  }
0x32: {  	s10 =	sld [smem:$0x3FAA];
	_ =	sdelay $0x3  }
0x33: {  	p0 =	seq.s32 s10, $0x1;
	s10 =	sld [smem:$0x3FAC];
	_ =	sdelay $0x3  }
0x34: {  	[smem:$0x3FAC] =	sst s10  }
0x35: {  	s10 =	sld [smem:$0x3FAB];
	_ =	sdelay $0x3  }
0x36: {  	p1 =	seq.s32 s10, $0x1;
	s10 =	sld [smem:$0x3FAC];
	_ =	sdelay $0x3  }
0x37: {  	[smem:$0x3FAC] =	sst s10  }
0x38: {  	s10 =	sld [smem:$0x3FAD]  }
0x39: {  	_ = 	snop;
	(pc) =	sbr.ind lr, $3  }
0x3a: {  	_ = 	snop  }
0x3b: {  	_ = 	snop  }
0x3c: {  	p2 =	seq.s32 s10, $0x1;
	s10 =	sld [smem:$0x3FAC]  }
0x3d: {  	_ =	shalt  }
0x3e: {  	_ =	shalt  }
0x3f: {  	_ =	shalt  }
0x40: {  	_ =	shalt  }
0x41: {  	_ =	shalt  }
0x42: {  	_ =	shalt  }
0x43: {  	_ =	shalt  }
0x44: {  	_ =	shalt  }
0x45: {  	_ =	shalt  }
0x46: {  	_ =	shalt  }
0x47: {  	_ =	shalt  }
0x48: {  	_ =	shalt  }
0x49: {  	_ =	shalt  }
0x4a: {  	_ =	shalt  }
0x4b: {  	_ =	shalt  }
0x4c: {  	_ =	shalt  }
0x4d: {  	_ =	shalt  }
0x4e: {  	_ =	shalt  }
0x4f: {  	_ =	shalt  }
0x50: {  	_ =	shalt  }
0x51: {  	_ =	shalt  }
0x52: {  	_ =	shalt  }
0x53: {  	_ =	shalt  }
0x54: {  	_ =	shalt  }
0x55: {  	_ =	shalt  }
0x56: {  	_ =	shalt  }
0x57: {  	_ =	shalt  }
0x58: {  	_ =	shalt  }
0x59: {  	_ =	shalt  }
0x5a: {  	_ =	shalt  }
0x5b: {  	_ =	shalt  }
0x5c: {  	_ =	shalt  }
0x5d: {  	_ =	shalt  }
0x5e: {  	_ =	shalt  }
0x5f: {  	_ =	shalt  }
0x60: {  	_ =	shalt  }
0x61: {  	_ =	shalt  }
0x62: {  	_ =	shalt  }
0x63: {  	_ =	shalt  }
0x64: {  	_ =	shalt  }
0x65: {  	_ =	shalt  }
0x66: {  	_ =	shalt  }
0x67: {  	_ =	shalt  }
0x68: {  	_ =	shalt  }
0x69: {  	_ =	shalt  }
0x6a: {  	_ =	shalt  }
0x6b: {  	_ =	shalt  }
0x6c: {  	_ =	shalt  }
0x6d: {  	_ =	shalt  }
0x6e: {  	_ =	shalt  }
0x6f: {  	_ =	shalt  }
0x70: {  	_ =	shalt  }
0x71: {  	_ =	shalt  }
0x72: {  	_ =	shalt  }
0x73: {  	_ =	shalt  }
0x74: {  	_ =	shalt  }
0x75: {  	_ =	shalt  }
0x76: {  	_ =	shalt  }
0x77: {  	_ =	shalt  }
0x78: {  	_ =	shalt  }
0x79: {  	_ =	shalt  }
0x7a: {  	_ =	shalt  }
0x7b: {  	_ =	shalt  }
0x7c: {  	_ =	shalt  }
0x7d: {  	_ =	shalt  }
0x7e: {  	_ =	shalt  }
0x7f: {  	_ =	shalt  }
0x80: {  	_ =	shalt  }
0x81: {  	_ =	shalt  }
0x82: {  	_ =	shalt  }
0x83: {  	_ =	shalt  }
0x84: {  	_ =	shalt  }
0x85: {  	_ =	shalt  }
0x86: {  	_ =	shalt  }
0x87: {  	_ =	shalt  }
.Lfunc_end0:
.L_simem_size_0:
called_computation.1_lowered:
.L_overlay_start_0:
0x88: {  	s2 =	sld [smem:$0x3FD9]  }
0x89: {  	s3 =	sld [smem:$0x3FFE];
	_ =	sdelay $0x1  }
0x8a: {  	s1 =	srdreg.scid  }
0x8b: {  	s0 =	sand.u32 $0x1, s1  }
0x8c: {  	s16 =	sshll.u32 s0, $0xA;
	s2 =	sadd.s32 s3, s2  }
0x8d: {  	s2 =	sadd.s32 s2, s16  }
0x8e: {  	[smem:$0x3FB8] =	sst s2  }
0x8f: {  	_ = 	snop  }
0x90: {  	(tm) =	ssettm $0x1  }
0x91: {  	s17 =	sld [smem:$0x3FFB];
	_ =	sdelay $0x3  }
0x92: {  	_ =	strace s17  }
0x93: {  	s2 =	sld [smem:$0x3FFC];
	_ =	sdelay $0x3  }
0x94: {  	_ =	strace s2  }
0x95: {  	s2 =	sld [smem:$0x3FFD];
	_ =	sdelay $0x3  }
0x96: {  	_ =	strace s2  }
0x97: {  	_ =	strace $0x8FFFFFFF  }
0x98: {  	s18 =	sld [smem:$0x3FDB];
	_ =	sdelay $0x1  }
0x99: {  	s19 =	simm.s32 $_scs_section_size  }
0x9a: {  	s4 =	simm.s32 $_size__tile_overlayer_lowered;
	s5 =	simm.s32 $_tile_overlayer_lowered  }
0x9b: {  	s22 =	simm.s32 $0x1BFF;
	s21 =	sshll.u32 s5, $0x1;
	s2 =	sadd.s32 s19, s18  }
0x9c: {  	s6 =	simm.s32 $0x0;
	s20 =	sshll.u32 s4, $0x1;
	s4 =	sadd.s32 s21, s2  }
0x9d: {  	[timem:s6], [sflag:s22] =	dma.local [hbm:s4], s20  }
0x9e: {  	_ =	swait.ge [sflag:s22], s20  }
0x9f: {  	s3 =	ssub.s32 $0x0, s20;
	[sflag:s22] =	ssyncset.done $0x0  }
0xa0: {  	[sflag:s22] =	ssyncadd.s32 s3;
	_ =	sdelay $0x1  }
0xa1: {  	s23 =	simm.s32 $0x1B8B  }
0xa2: {  	_ =	swait.ge [sflag:s23], $0x1  }
0xa3: {  	[sflag:s23] =	ssyncset.done $0x0  }
0xa4: {  	s25 =	simm.s32 $0x1B8E;
	s24 =	sld [smem:$0x3FFE];
	[sflag:s23] =	ssyncadd.s32 $0xFFFFFFFF  }
0xa5: {  	s26 =	simm.s32 $execute0_lowered;
	[smem:$0x3FD2] =	sst s25  }
0xa6: {  	s4 =	sshll.u32 s26, $0x1;
	_ =	strace $0x80000049;
	[dreg:$0x1] =	wrdreg $0xFFFFFFFF  }
0xa7: {  	s28 =	simm.s32 $_size_execute0_lowered;
	s2 =	sadd.s32 s2, s4;
	[dreg:$0x0] =	wrdreg $0x0  }
0xa8: {  	s4 =	sshll.u32 s28, $0x1;
	[dreg:$0x2] =	wrdreg s2  }
0xa9: {  	[dreg:$0x3] =	wrdreg s4  }
0xaa: {  	[dreg:$0x4] =	wrdreg $0xC0  }
0xab: {  	_ =	task [dreg:s6], $0x5FFFF  }
0xac: {  	[dreg:$0x1] =	wrdreg $0xFFFFFFFF  }
0xad: {  	[dreg:$0x0] =	wrdreg $0x60  }
0xae: {  	[dreg:$0x2] =	wrdreg s24  }
0xaf: {  	[dreg:$0x3] =	wrdreg $0x2E000  }
0xb0: {  	[dreg:$0x4] =	wrdreg $0x9  }
0xb1: {  	_ =	task.clear_ibuf [dreg:s6], $0x5FFFF;
	_ =	strace $0x90000049  }
0xb2: {  	s29 =	simm.s32 $0x9;
	_ =	strace $0x8000004B  }
0xb3: {  	_ =	swait.ge [sflag:s29], $0x1  }
0xb4: {  	[sflag:s29] =	ssyncadd.s32 $0xFFFFFFFF  }
0xb5: {  	_ =	strace $0x9000004B  }
0xb6: {  	_ =	sfence  }
0xb7: {  	s30 =	sld [smem:$0x0];
	_ =	sdelay $0x2  }
0xb8: {  	s31 =	sshll.u32 s1, $0xD;
	s1 =	sshrl.u32 s1, $0x2  }
0xb9: {  	s3 =	sand.u32 $0x4000, s31;
	s1 =	sadd.s32 s1, s30  }
0xba: {  	s0 =	sor.u32 s3, s0;
	s1 =	sshll.u32 s1, $0x11  }
0xbb: {  	s0 =	sor.u32 s1, s0  }
0xbc: {  	s0 =	sadd.s32 $0x8F2B, s0  }
0xbd: {  	[sflag:s0] =	ssyncadd.remote.s32 $0x1  }
0xbe: {  	_ =	sfence.sel $0xFFFF  }
0xbf: {  	[dreg:$0x0] =	wrdreg $0xFFFFFFFF;
	(pc) =	sbr.abs _section_cstart, $3  }
0xc0: {  	[dreg:$0x1] =	wrdreg $0xFFFFFFFF  }
0xc1: {  	_ =	task.clear_ibuf [dreg:s6], $0x2FFFF;
	_ =	strace $0x9FFFFFFF  }
0xc2: {  	(tm) =	ssettm $0x7FFFFFFF  }
0xc3: {  	_ =	shalt  }
tec
execute0_lowered:
.L_overlay_start_1:
0x0: {  	(tag) =	ssettag $0x1  }
0x1: {  	s7 =	rddreg [dreg:$0x0]  }
0x2: {  	s2 =	rddreg [dreg:$0x1];
	s3 =	simm.s32 $0x0;
	s1 =	stileid.u32  }
0x3: {  	s9 =	srdreg.scid;
	s18 =	simm.s32 $0x4;
	s19 =	simm.s32 $0x80  }
0x4: {  	s20 =	simm.s32 $0x2;
	s21 =	simm.s32 $0x100;
	s22 =	simm.s32 $0x180  }
0x5: {  	s23 =	simm.s32 $0x58;
	s24 =	simm.s32 $0x200;
	s25 =	simm.s32 $0x1  }
0x6: {  	s28 =	simm.s32 $0x0;
	[smem:$0x7FF] =	sst s3;
	s8 =	smul.u32 $0x280, s1  }
0x7: {  	s4 =	sadd.s32 $0x2B400, s7;
	s5 =	sadd.s32 $0x17800, s7;
	s6 =	sadd.s32 $0x21600, s7  }
0x8: {  	s9 =	sand.u32 $0x1, s9;
	s12 =	sshll.u32 s1, $0x1;
	s15 =	smul.u32 $0x4E60, s1  }
0x9: {  	s26 =	sshll.u32 s1, $0x6;
	_ =	strace $0x8000004A;
	s11 =	smul.u32 $0x138800, s9  }
0xa: {  	s12 =	sor.u32 s9, s12;
	s13 =	ssub.s32 $0x2, s9;
	s9 =	smul.u32 $0x2730, s9  }
0xb: {  	s8 =	smin.u32 s8, $0x2490;
	s12 =	smul.u32 $0x2730, s12;
	s14 =	sshrl.u32 s13, $0x1  }
0xc: {  	s10 =	sshll.u32 s8, $0x4;
	s8 =	sshll.u32 s8, $0x7;
	s13 =	ssub.s32 s13, s14  }
0xd: {  	s30 =	sadd.s32 s9, s15;
	s10 =	sadd.s32 s10, s7;
	s11 =	sadd.s32 s11, s8  }
0xe: {  	s17 =	sadd.s32 s8, s2;
	s8 =	sor.u32 $0x1C04, s26;
	s29 =	sshrl.u32 s12, $0x3  }
0xf: {  	s9 =	sadd.s32 $0x26D8, s12;
	s15 =	sadd.s32 $0x58, s30;
	s13 =	smax.u32 s13, $0x1  }
0x10: {  	s14 =	sadd.s32 $0xB0, s30;
	s26 =	simm.s32 $0x3;
	s11 =	sshrl.u32 s11, $0x3  }
0x11: {  	s31 =	sshrl.u32 s15, $0x3;
	s17 =	sshrl.u32 s17, $0x3;
	s16 =	sadd.s32 s11, s7  }
0x12: {  	s7 =	sadd.s32 $0x52600, s10;
	s10 =	sadd.s32 s5, s29;
	s11 =	sadd.s32 s6, s29  }
0x13: {  	s15 =	sadd.s32 s31, s6;
	s12 =	sadd.s32 $0x79800, s16;
	s16 =	sadd.s32 s31, s5  }
.LBB2_1:
0x14: {  	[spmem:s17], [sflag:s8] =	dma.local [hbm:s7], $0x2800  }
0x15: {  	_ =	swait.ge [sflag:s18], $0x2800  }
0x16: {  	[sflag:s18] =	ssyncset.done $0x0  }
0x17: {  	[sflag:s18] =	ssyncadd.s32 $0xFFFFD800  }
0x18: {  	[bflag:$0x0] =	sbarrier.arrive $0xFFFF  }
0x19: {  	[tilespmem:s3], [sflag:$0x2] =	stream.linear.gather [hbm4b:s10+s3], $0x58, $0x38;
	[tilespmem:$0x16680] =	vst v63  }
0x1a: {  	_ = 	snop  }
0x1b: {  	[tilespmem:s19], [sflag:$0x2] =	stream.linear.gather [hbm4b:s11+s3], $0x58, $0x38;
	[tilespmem:$0x16680] =	vst v63  }
0x1c: {  	_ =	swait.ge [sflag:s20], $0x58  }
0x1d: {  	[sflag:s20] =	ssyncset.done $0x0  }
0x1e: {  	[sflag:s20] =	ssyncadd.s32 $0xFFFFFFA8  }
0x1f: {  	_ =	swait.ge [sflag:s20], $0x58  }
0x20: {  	[sflag:s20] =	ssyncset.done $0x0  }
0x21: {  	s29 =	sadd.s32 $0x0, s16;
	[sflag:s20] =	ssyncadd.s32 $0xFFFFFFA8  }
0x22: {  	[tilespmem:s21], [sflag:$0x3] =	stream.linear.gather [hbm4b:s29+s3], $0x58, $0x38;
	[tilespmem:$0x16680] =	vst v63  }
0x23: {  	s29 =	sadd.s32 $0x0, s15  }
0x24: {  	[tilespmem:s22], [sflag:$0x3] =	stream.linear.gather [hbm4b:s29+s3], $0x58, $0x38;
	[tilespmem:$0x16680] =	vst v63  }
0x25: {  	_ = 	snop  }
0x26: {  	[tilespmem:s24], [sflag:$0x1] =	stream.indirect.gather [hbm4b:s4+s23], $0x80, s3, s23, $0xb8;
	[tilespmem:$0x16680] =	vst v63  }
0x27: {  	_ =	swait.ge [sflag:s25], $0x2C00  }
0x28: {  	[sflag:s25] =	ssyncset.done $0x0  }
0x29: {  	[sflag:s25] =	ssyncadd.s32 $0xFFFFD400  }
0x2a: {  	[spmem:s2] =	stream.indirect.scatter.add.f32 [tilespmem:s24], [sflag:$0x4], $0x80, s19, s23, $0xb8;
	[tilespmem:$0x16680] =	vst v63  }
0x2b: {  	_ =	swait.ge [sflag:s18], $0x2C00  }
0x2c: {  	[sflag:s18] =	ssyncset.done $0x0  }
0x2d: {  	[sflag:s18] =	ssyncadd.s32 $0xFFFFD400  }
0x2e: {  	_ =	swait.ge [sflag:s26], $0x58  }
0x2f: {  	[sflag:s26] =	ssyncset.done $0x0  }
0x30: {  	p0 =	slt.s32 s14, s9;
	s29 =	smov.u32 s9;
	[sflag:s26] =	ssyncadd.s32 $0xFFFFFFA8  }
0x31: {  	s29 =	smov.u32 @p0 s14;
	_ =	swait.ge [sflag:s26], $0x58  }
0x32: {  	s29 =	sshrl.u32 s29, $0x3;
	[sflag:s26] =	ssyncset.done $0x0  }
0x33: {  	s30 =	sadd.s32 s5, s29;
	[sflag:s26] =	ssyncadd.s32 $0xFFFFFFA8  }
0x34: {  	[tilespmem:s3], [sflag:$0x2] =	stream.linear.gather [hbm4b:s30+s3], $0x58, $0x38;
	[tilespmem:$0x16680] =	vst v63  }
0x35: {  	s29 =	sadd.s32 s6, s29  }
0x36: {  	[tilespmem:s19], [sflag:$0x2] =	stream.linear.gather [hbm4b:s29+s3], $0x58, $0x38;
	[tilespmem:$0x16680] =	vst v63  }
0x37: {  	_ = 	snop  }
0x38: {  	[tilespmem:s24], [sflag:$0x1] =	stream.indirect.gather [hbm4b:s4+s23], $0x80, s21, s23, $0xb8;
	[tilespmem:$0x16680] =	vst v63  }
0x39: {  	_ =	swait.ge [sflag:s25], $0x2C00  }
0x3a: {  	[sflag:s25] =	ssyncset.done $0x0  }
0x3b: {  	[sflag:s25] =	ssyncadd.s32 $0xFFFFD400  }
0x3c: {  	[spmem:s2] =	stream.indirect.scatter.add.f32 [tilespmem:s24], [sflag:$0x4], $0x80, s22, s23, $0xb8;
	[tilespmem:$0x16680] =	vst v63  }
0x3d: {  	_ =	swait.ge [sflag:s18], $0x2C00  }
0x3e: {  	s30 =	smov.u32 s14;
	s29 =	simm.s32 $0x16;
	[sflag:s18] =	ssyncset.done $0x0  }
.LBB2_2:
0x3f: {  	p0 =	sne.s32 s29, $0x4D0;
	[sflag:s18] =	ssyncadd.s32 $0xFFFFD400;
	s30 =	sadd.s32 $0xB0, s30  }
0x40: {  	s31 =	smov.u32 s29;
	s29 =	sadd.s32 $0x16, s29;
	_ =	swait.ge [sflag:s20], $0x58  }
0x41: {  	[sflag:s20] =	ssyncset.done $0x0  }
0x42: {  	[sflag:s20] =	ssyncadd.s32 $0xFFFFFFA8  }
0x43: {  	_ =	swait.ge [sflag:s20], $0x58  }
0x44: {  	[sflag:s20] =	ssyncset.done $0x0  }
0x45: {  	s0 =	sadd.s32 s31, s16;
	[sflag:s20] =	ssyncadd.s32 $0xFFFFFFA8  }
0x46: {  	[tilespmem:s21], [sflag:$0x3] =	stream.linear.gather [hbm4b:s0+s3], $0x58, $0x38;
	[tilespmem:$0x16680] =	vst v63  }
0x47: {  	s0 =	sadd.s32 s31, s15  }
0x48: {  	[tilespmem:s22], [sflag:$0x3] =	stream.linear.gather [hbm4b:s0+s3], $0x58, $0x38;
	[tilespmem:$0x16680] =	vst v63  }
0x49: {  	_ = 	snop  }
0x4a: {  	[tilespmem:s24], [sflag:$0x1] =	stream.indirect.gather [hbm4b:s4+s23], $0x80, s3, s23, $0xb8;
	[tilespmem:$0x16680] =	vst v63  }
0x4b: {  	_ =	swait.ge [sflag:s25], $0x2C00  }
0x4c: {  	[sflag:s25] =	ssyncset.done $0x0  }
0x4d: {  	[sflag:s25] =	ssyncadd.s32 $0xFFFFD400  }
0x4e: {  	[spmem:s2] =	stream.indirect.scatter.add.f32 [tilespmem:s24], [sflag:$0x4], $0x80, s19, s23, $0xb8;
	[tilespmem:$0x16680] =	vst v63  }
0x4f: {  	_ =	swait.ge [sflag:s18], $0x2C00  }
0x50: {  	[sflag:s18] =	ssyncset.done $0x0  }
0x51: {  	[sflag:s18] =	ssyncadd.s32 $0xFFFFD400  }
0x52: {  	_ =	swait.ge [sflag:s26], $0x58  }
0x53: {  	[sflag:s26] =	ssyncset.done $0x0  }
0x54: {  	p1 =	slt.s32 s30, s9;
	s0 =	smov.u32 s9;
	[sflag:s26] =	ssyncadd.s32 $0xFFFFFFA8  }
0x55: {  	s0 =	smov.u32 @p1 s30;
	_ =	swait.ge [sflag:s26], $0x58  }
0x56: {  	s0 =	sshrl.u32 s0, $0x3;
	[sflag:s26] =	ssyncset.done $0x0  }
0x57: {  	s31 =	sadd.s32 s5, s0;
	[sflag:s26] =	ssyncadd.s32 $0xFFFFFFA8  }
0x58: {  	[tilespmem:s3], [sflag:$0x2] =	stream.linear.gather [hbm4b:s31+s3], $0x58, $0x38;
	[tilespmem:$0x16680] =	vst v63  }
0x59: {  	s0 =	sadd.s32 s6, s0  }
0x5a: {  	[tilespmem:s19], [sflag:$0x2] =	stream.linear.gather [hbm4b:s0+s3], $0x58, $0x38;
	[tilespmem:$0x16680] =	vst v63  }
0x5b: {  	_ = 	snop  }
0x5c: {  	[tilespmem:s24], [sflag:$0x1] =	stream.indirect.gather [hbm4b:s4+s23], $0x80, s21, s23, $0xb8;
	[tilespmem:$0x16680] =	vst v63  }
0x5d: {  	_ =	swait.ge [sflag:s25], $0x2C00  }
.Ltmp0:
0x5e: {  	[sflag:s25] =	ssyncset.done $0x0;
	(pc) =	sbr.rel @p0 .LBB2_2-.Ltmp0, $4  }
0x5f: {  	[sflag:s25] =	ssyncadd.s32 $0xFFFFD400  }
0x60: {  	[spmem:s2] =	stream.indirect.scatter.add.f32 [tilespmem:s24], [sflag:$0x4], $0x80, s22, s23, $0xb8;
	[tilespmem:$0x16680] =	vst v63  }
0x61: {  	_ =	swait.ge [sflag:s18], $0x2C00  }
0x62: {  	[sflag:s18] =	ssyncset.done $0x0  }
0x63: {  	[sflag:s18] =	ssyncadd.s32 $0xFFFFD400  }
0x64: {  	_ =	swait.ge [sflag:s20], $0x58  }
0x65: {  	[sflag:s20] =	ssyncset.done $0x0  }
0x66: {  	[sflag:s20] =	ssyncadd.s32 $0xFFFFFFA8  }
0x67: {  	_ =	swait.ge [sflag:s20], $0x58  }
0x68: {  	s28 =	sadd.s32 $0x1, s28;
	[sflag:s20] =	ssyncset.done $0x0  }
0x69: {  	p0 =	sne.s32 s28, s13;
	[sflag:s20] =	ssyncadd.s32 $0xFFFFFFA8  }
.Ltmp1:
0x6a: {  	[bflag:$0x0] =	sbarrier.arrive $0xFFFF;
	(pc) =	sbr.rel @p0 .LBB2_1-.Ltmp1, $4  }
0x6b: {  	[hbm:s12], [sflag:s8] =	dma.local [spmem:s17], $0x2800  }
0x6c: {  	_ =	swait.ge [sflag:s18], $0x2800  }
0x6d: {  	[sflag:s18] =	ssyncset.done $0x0  }
0x6e: {  	[sflag:s18] =	ssyncadd.s32 $0xFFFFD800  }
0x6f: {  	_ =	sfence.sel $0x180000  }
0x70: {  	[bflag:$0x0] =	sbarrier.arrive $0xFFFF  }
0x71: {  	_ =	strace $0x9000004A  }
0x72: {  	[bflag:$0x2] =	sbarrier.arrive $0xFFFF  }
0x73: {  	p0 =	sne.s32 s1, $0x0;
	s0 =	rddreg [dreg:$0x2]  }
0x74: {  	s0 =	sadd.s32 @!p0 $0x100000, s0  }
0x75: {  	[sflag:s0] =	ssyncadd.tile.s32 @!p0 $0x1;
	_ =	shalt  }
.Lfunc_end2:
_tile_overlayer_lowered:
.L_overlay_start_2:
0x76: {  	(tag) =	ssettag $0x2  }
0x77: {  	s0 =	rddreg [dreg:$0x0];
	s2 =	stileid.u32  }
0x78: {  	s1 =	rddreg [dreg:$0x1];
	p0 =	sne.s32 s2, $0x0  }
0x79: {  	s3 =	rddreg [dreg:$0x2];
	[bflag:$0x3] =	sbarrier.arrive $0xFFFF;
	s2 =	simm.s32 @!p0 $0x1C04  }
0x7a: {  	[timem:s3], [sflag:s2] =	dma.local @!p0 [hbm:s0], s1  }
0x7b: {  	s0 =	simm.s32 @!p0 $0x4  }
0x7c: {  	_ =	swait.ge @!p0 [sflag:s0], s1  }
0x7d: {  	s1 =	ssub.s32 @!p0 $0x0, s1;
	[sflag:s0] =	ssyncset.done @!p0 $0x0  }
0x7e: {  	[sflag:s0] =	ssyncadd.s32 @!p0 s1  }
0x7f: {  	[bflag:$0x3] =	sbarrier.arrive $0xFFFF  }
0x80: {  	_ =	shalt  }

// kernel: kernel.17.cloned.1.call-start
scs
__scs_entry_jumppad:
0x0: {  	(pc) =	sbr.rel $0x88, $3  }
0x1: {  	(tag) =	ssettag $0x0;
	lr =	simm.s32 $0x1  }
0x2: {  	[smem:$0x3F91] =	sst lr;
	_ =	strace $0xD0000000  }
0x3: {  	_ = 	snop  }
0x4: {  	_ = 	snop  }
0x5: {  	_ = 	snop  }
0x6: {  	_ = 	snop  }
0x7: {  	_ = 	snop  }
__scs_overlays_trampoline_lowered:
0x8: {  	[smem:$0x3FA0] =	sst s0  }
0x9: {  	[smem:$0x3FA1] =	sst s1  }
0xa: {  	[smem:$0x3FA2] =	sst s2  }
0xb: {  	[smem:$0x3FA3] =	sst s3  }
0xc: {  	[smem:$0x3FA4] =	sst s4  }
0xd: {  	[smem:$0x3FA5] =	sst s5  }
0xe: {  	[smem:$0x3FA6] =	sst s6  }
0xf: {  	[smem:$0x3FA7] =	sst s7  }
0x10: {  	[smem:$0x3FA8] =	sst s8  }
0x11: {  	[smem:$0x3FA9] =	sst s9;
	s0 =	simm.s32 @!p0 $0x0  }
0x12: {  	s1 =	sld [smem:$0x3F8F];
	s0 =	simm.s32 @p0 $0x1  }
0x13: {  	[smem:$0x3FAA] =	sst s0;
	s0 =	simm.s32 @!p1 $0x0  }
0x14: {  	s2 =	sld [smem:$0x3F8E];
	s0 =	simm.s32 @p1 $0x1  }
0x15: {  	[smem:$0x3FAB] =	sst s0;
	s0 =	simm.s32 @!p2 $0x0  }
0x16: {  	s3 =	sld [smem:$0x3FDB];
	s0 =	simm.s32 @p2 $0x1  }
0x17: {  	s4 =	simm.s32 $0x1BF5;
	[smem:$0x3FAD] =	sst s0  }
0x18: {  	s0 =	sld [smem:$0x3F90];
	_ =	swait.ge [sflag:s4], $0x0  }
0x19: {  	s7 =	sld [smem:$0x3F91]  }
0x1a: {  	s8 =	sadd.s32 $0xFFFFE003, lr  }
0x1b: {  	s9 =	sadd.s32 $0xFFFFFEF7, lr;
	s5 =	simm.s32 $0xFFFFFFFF;
	p2 =	slt.u32 s8, $0xFFFFF086  }
0x1c: {  	p1 =	slt.u32 s9, $0xF7A;
	s5 =	simm.s32 @!p2 $0x0  }
0x1d: {  	s5 =	simm.s32 @p1 $0x1;
	p0 =	seq.s32 s7, s2  }
0x1e: {  	s7 =	smul.u32 @!p0 $0xF7A, s2;
	p2 =	seq.s32 @!p0 s5, $0x0  }
0x1f: {  	s9 =	smul.u32 $0xF7A, s1;
	s8 =	simm.s32 @!p0 $0x1BF5;
	p2 =	por !p2, p0  }
0x20: {  	[sflag:s8] =	ssyncset.s32 @!p0 $0xFFFFF086;
	s6 =	sadd.s32 @!p0 s3, s7;
	s7 =	simm.s32 @!p0 $0x108  }
0x21: {  	s3 =	sadd.s32 s3, s9;
	s6 =	sadd.s32 @!p0 $0x88, s6;
	s7 =	simm.s32 @p2 $0x1082  }
0x22: {  	[simem:s7], [sflag:s8] =	dma.local @!p0 [hbm:s6], $0xF7A  }
0x23: {  	s9 =	sor.u32 $0xD0000000, s2;
	s6 =	simm.s32 $0x108;
	_ =	swait.ge @!p0 [sflag:s8], $0x0  }
0x24: {  	s3 =	sadd.s32 $0x88, s3;
	s6 =	simm.s32 @!p1 $0x1082;
	[sflag:s4] =	ssyncset.s32 $0xFFFFF086  }
0x25: {  	[simem:s6], [sflag:s4] =	dma.local [hbm:s3], $0xF7A  }
0x26: {  	[smem:$0x3F91] =	sst s1;
	(tag) =	ssettag s2;
	_ =	strace s9  }
0x27: {  	s1 =	sld [smem:$0x3FA1]  }
0x28: {  	s2 =	sld [smem:$0x3FA2]  }
0x29: {  	s4 =	sld [smem:$0x3FA4]  }
0x2a: {  	p0 =	seq.s32 s5, $0x0;
	s5 =	sld [smem:$0x3FA5]  }
0x2b: {  	s6 =	sld [smem:$0x3FA6]  }
0x2c: {  	s7 =	sld [smem:$0x3FA7]  }
0x2d: {  	s3 =	simm.s32 $0x108;
	s8 =	sld [smem:$0x3FA8]  }
0x2e: {  	s3 =	simm.s32 @!p0 $0x1082;
	s9 =	sld [smem:$0x3FA9]  }
0x2f: {  	lr =	sadd.s32 s0, s3;
	s0 =	sld [smem:$0x3FA0]  }
0x30: {  	s3 =	sld [smem:$0x3FA3]  }
0x31: {  	[smem:$0x3FAC] =	sst s10  }
0x32: {  	s10 =	sld [smem:$0x3FAA];
	_ =	sdelay $0x3  }
0x33: {  	p0 =	seq.s32 s10, $0x1;
	s10 =	sld [smem:$0x3FAC];
	_ =	sdelay $0x3  }
0x34: {  	[smem:$0x3FAC] =	sst s10  }
0x35: {  	s10 =	sld [smem:$0x3FAB];
	_ =	sdelay $0x3  }
0x36: {  	p1 =	seq.s32 s10, $0x1;
	s10 =	sld [smem:$0x3FAC];
	_ =	sdelay $0x3  }
0x37: {  	[smem:$0x3FAC] =	sst s10  }
0x38: {  	s10 =	sld [smem:$0x3FAD]  }
0x39: {  	_ = 	snop;
	(pc) =	sbr.ind lr, $3  }
0x3a: {  	_ = 	snop  }
0x3b: {  	_ = 	snop  }
0x3c: {  	p2 =	seq.s32 s10, $0x1;
	s10 =	sld [smem:$0x3FAC]  }
0x3d: {  	_ =	shalt  }
0x3e: {  	_ =	shalt  }
0x3f: {  	_ =	shalt  }
0x40: {  	_ =	shalt  }
0x41: {  	_ =	shalt  }
0x42: {  	_ =	shalt  }
0x43: {  	_ =	shalt  }
0x44: {  	_ =	shalt  }
0x45: {  	_ =	shalt  }
0x46: {  	_ =	shalt  }
0x47: {  	_ =	shalt  }
0x48: {  	_ =	shalt  }
0x49: {  	_ =	shalt  }
0x4a: {  	_ =	shalt  }
0x4b: {  	_ =	shalt  }
0x4c: {  	_ =	shalt  }
0x4d: {  	_ =	shalt  }
0x4e: {  	_ =	shalt  }
0x4f: {  	_ =	shalt  }
0x50: {  	_ =	shalt  }
0x51: {  	_ =	shalt  }
0x52: {  	_ =	shalt  }
0x53: {  	_ =	shalt  }
0x54: {  	_ =	shalt  }
0x55: {  	_ =	shalt  }
0x56: {  	_ =	shalt  }
0x57: {  	_ =	shalt  }
0x58: {  	_ =	shalt  }
0x59: {  	_ =	shalt  }
0x5a: {  	_ =	shalt  }
0x5b: {  	_ =	shalt  }
0x5c: {  	_ =	shalt  }
0x5d: {  	_ =	shalt  }
0x5e: {  	_ =	shalt  }
0x5f: {  	_ =	shalt  }
0x60: {  	_ =	shalt  }
0x61: {  	_ =	shalt  }
0x62: {  	_ =	shalt  }
0x63: {  	_ =	shalt  }
0x64: {  	_ =	shalt  }
0x65: {  	_ =	shalt  }
0x66: {  	_ =	shalt  }
0x67: {  	_ =	shalt  }
0x68: {  	_ =	shalt  }
0x69: {  	_ =	shalt  }
0x6a: {  	_ =	shalt  }
0x6b: {  	_ =	shalt  }
0x6c: {  	_ =	shalt  }
0x6d: {  	_ =	shalt  }
0x6e: {  	_ =	shalt  }
0x6f: {  	_ =	shalt  }
0x70: {  	_ =	shalt  }
0x71: {  	_ =	shalt  }
0x72: {  	_ =	shalt  }
0x73: {  	_ =	shalt  }
0x74: {  	_ =	shalt  }
0x75: {  	_ =	shalt  }
0x76: {  	_ =	shalt  }
0x77: {  	_ =	shalt  }
0x78: {  	_ =	shalt  }
0x79: {  	_ =	shalt  }
0x7a: {  	_ =	shalt  }
0x7b: {  	_ =	shalt  }
0x7c: {  	_ =	shalt  }
0x7d: {  	_ =	shalt  }
0x7e: {  	_ =	shalt  }
0x7f: {  	_ =	shalt  }
0x80: {  	_ =	shalt  }
0x81: {  	_ =	shalt  }
0x82: {  	_ =	shalt  }
0x83: {  	_ =	shalt  }
0x84: {  	_ =	shalt  }
0x85: {  	_ =	shalt  }
0x86: {  	_ =	shalt  }
0x87: {  	_ =	shalt  }
.Lfunc_end0:
.L_simem_size_0:
called_computation.2_lowered:
.L_overlay_start_0:
0x88: {  	s2 =	sld [smem:$0x3FD9]  }
0x89: {  	s3 =	sld [smem:$0x3FFE];
	_ =	sdelay $0x1  }
0x8a: {  	s1 =	srdreg.scid  }
0x8b: {  	s0 =	sand.u32 $0x1, s1  }
0x8c: {  	s16 =	sshll.u32 s0, $0xA;
	s2 =	sadd.s32 s3, s2  }
0x8d: {  	s2 =	sadd.s32 s2, s16  }
0x8e: {  	[smem:$0x3FB8] =	sst s2  }
0x8f: {  	_ = 	snop  }
0x90: {  	(tm) =	ssettm $0x1  }
0x91: {  	s17 =	sld [smem:$0x3FFB];
	_ =	sdelay $0x3  }
0x92: {  	_ =	strace s17  }
0x93: {  	s2 =	sld [smem:$0x3FFC];
	_ =	sdelay $0x3  }
0x94: {  	_ =	strace s2  }
0x95: {  	s2 =	sld [smem:$0x3FFD];
	_ =	sdelay $0x3  }
0x96: {  	_ =	strace s2  }
0x97: {  	_ =	strace $0x8FFFFFFF  }
0x98: {  	s18 =	sld [smem:$0x3FDB];
	_ =	sdelay $0x1  }
0x99: {  	s19 =	simm.s32 $_scs_section_size  }
0x9a: {  	s4 =	simm.s32 $_size__tile_overlayer_lowered;
	s5 =	simm.s32 $_tile_overlayer_lowered  }
0x9b: {  	s22 =	simm.s32 $0x1BFF;
	s21 =	sshll.u32 s5, $0x1;
	s2 =	sadd.s32 s19, s18  }
0x9c: {  	s6 =	simm.s32 $0x0;
	s20 =	sshll.u32 s4, $0x1;
	s4 =	sadd.s32 s21, s2  }
0x9d: {  	[timem:s6], [sflag:s22] =	dma.local [hbm:s4], s20  }
0x9e: {  	_ =	swait.ge [sflag:s22], s20  }
0x9f: {  	s3 =	ssub.s32 $0x0, s20;
	[sflag:s22] =	ssyncset.done $0x0  }
0xa0: {  	[sflag:s22] =	ssyncadd.s32 s3;
	_ =	sdelay $0x1  }
0xa1: {  	s23 =	simm.s32 $0x1B8B  }
0xa2: {  	_ =	swait.ge [sflag:s23], $0x1  }
0xa3: {  	[sflag:s23] =	ssyncset.done $0x0  }
0xa4: {  	s25 =	simm.s32 $0x1B8E;
	s24 =	sld [smem:$0x3FFE];
	[sflag:s23] =	ssyncadd.s32 $0xFFFFFFFF  }
0xa5: {  	s26 =	simm.s32 $execute0_lowered;
	[smem:$0x3FD2] =	sst s25  }
0xa6: {  	s4 =	sshll.u32 s26, $0x1;
	_ =	strace $0x8000004C;
	[dreg:$0x1] =	wrdreg $0xFFFFFFFF  }
0xa7: {  	s28 =	simm.s32 $_size_execute0_lowered;
	s2 =	sadd.s32 s2, s4;
	[dreg:$0x0] =	wrdreg $0x0  }
0xa8: {  	s4 =	sshll.u32 s28, $0x1;
	[dreg:$0x2] =	wrdreg s2  }
0xa9: {  	[dreg:$0x3] =	wrdreg s4  }
0xaa: {  	[dreg:$0x4] =	wrdreg $0xC0  }
0xab: {  	_ =	task [dreg:s6], $0x5FFFF  }
0xac: {  	[dreg:$0x1] =	wrdreg $0xFFFFFFFF  }
0xad: {  	[dreg:$0x0] =	wrdreg $0x60  }
0xae: {  	[dreg:$0x2] =	wrdreg s24  }
0xaf: {  	[dreg:$0x3] =	wrdreg $0x2E000  }
0xb0: {  	[dreg:$0x4] =	wrdreg $0x9  }
0xb1: {  	_ =	task.clear_ibuf [dreg:s6], $0x5FFFF;
	_ =	strace $0x9000004C  }
0xb2: {  	s29 =	simm.s32 $0x9;
	_ =	strace $0x8000004E  }
0xb3: {  	_ =	swait.ge [sflag:s29], $0x1  }
0xb4: {  	[sflag:s29] =	ssyncadd.s32 $0xFFFFFFFF  }
0xb5: {  	_ =	strace $0x9000004E  }
0xb6: {  	_ =	sfence  }
0xb7: {  	s30 =	sld [smem:$0x0];
	_ =	sdelay $0x2  }
0xb8: {  	s31 =	sshll.u32 s1, $0xD;
	s1 =	sshrl.u32 s1, $0x2  }
0xb9: {  	s3 =	sand.u32 $0x4000, s31;
	s1 =	sadd.s32 s1, s30  }
0xba: {  	s0 =	sor.u32 s3, s0;
	s1 =	sshll.u32 s1, $0x11  }
0xbb: {  	s0 =	sor.u32 s1, s0  }
0xbc: {  	s0 =	sadd.s32 $0x8F2B, s0  }
0xbd: {  	[sflag:s0] =	ssyncadd.remote.s32 $0x1  }
0xbe: {  	_ =	sfence.sel $0xFFFF  }
0xbf: {  	[dreg:$0x0] =	wrdreg $0xFFFFFFFF;
	(pc) =	sbr.abs _section_cstart, $3  }
0xc0: {  	[dreg:$0x1] =	wrdreg $0xFFFFFFFF  }
0xc1: {  	_ =	task.clear_ibuf [dreg:s6], $0x2FFFF;
	_ =	strace $0x9FFFFFFF  }
0xc2: {  	(tm) =	ssettm $0x7FFFFFFF  }
0xc3: {  	_ =	shalt  }
tec
execute0_lowered:
.L_overlay_start_1:
0x0: {  	(tag) =	ssettag $0x1  }
0x1: {  	s7 =	rddreg [dreg:$0x0]  }
0x2: {  	s2 =	rddreg [dreg:$0x1];
	s3 =	simm.s32 $0x0;
	s1 =	stileid.u32  }
0x3: {  	s9 =	srdreg.scid;
	s18 =	simm.s32 $0x4;
	s19 =	simm.s32 $0x80  }
0x4: {  	s20 =	simm.s32 $0x2;
	s21 =	simm.s32 $0x100;
	s22 =	simm.s32 $0x180  }
0x5: {  	s23 =	simm.s32 $0x58;
	s24 =	simm.s32 $0x200;
	s25 =	simm.s32 $0x1  }
0x6: {  	s28 =	simm.s32 $0x0;
	[smem:$0x7FF] =	sst s3;
	s8 =	smul.u32 $0x280, s1  }
0x7: {  	s4 =	sadd.s32 $0x2B400, s7;
	s5 =	sadd.s32 $0x17800, s7;
	s6 =	sadd.s32 $0x21600, s7  }
0x8: {  	s9 =	sand.u32 $0x1, s9;
	s12 =	sshll.u32 s1, $0x1;
	s15 =	smul.u32 $0x4E60, s1  }
0x9: {  	s26 =	sshll.u32 s1, $0x6;
	_ =	strace $0x8000004D;
	s11 =	smul.u32 $0x138800, s9  }
0xa: {  	s12 =	sor.u32 s9, s12;
	s13 =	ssub.s32 $0x2, s9;
	s9 =	smul.u32 $0x2730, s9  }
0xb: {  	s8 =	smin.u32 s8, $0x2490;
	s12 =	smul.u32 $0x2730, s12;
	s14 =	sshrl.u32 s13, $0x1  }
0xc: {  	s10 =	sshll.u32 s8, $0x4;
	s8 =	sshll.u32 s8, $0x7;
	s13 =	ssub.s32 s13, s14  }
0xd: {  	s30 =	sadd.s32 s9, s15;
	s10 =	sadd.s32 s10, s7;
	s11 =	sadd.s32 s11, s8  }
0xe: {  	s17 =	sadd.s32 s8, s2;
	s8 =	sor.u32 $0x1C04, s26;
	s29 =	sshrl.u32 s12, $0x3  }
0xf: {  	s9 =	sadd.s32 $0x26D8, s12;
	s15 =	sadd.s32 $0x58, s30;
	s13 =	smax.u32 s13, $0x1  }
0x10: {  	s14 =	sadd.s32 $0xB0, s30;
	s26 =	simm.s32 $0x3;
	s11 =	sshrl.u32 s11, $0x3  }
0x11: {  	s31 =	sshrl.u32 s15, $0x3;
	s17 =	sshrl.u32 s17, $0x3;
	s16 =	sadd.s32 s11, s7  }
0x12: {  	s7 =	sadd.s32 $0x52600, s10;
	s10 =	sadd.s32 s5, s29;
	s11 =	sadd.s32 s6, s29  }
0x13: {  	s15 =	sadd.s32 s31, s6;
	s12 =	sadd.s32 $0x79800, s16;
	s16 =	sadd.s32 s31, s5  }
.LBB2_1:
0x14: {  	[spmem:s17], [sflag:s8] =	dma.local [hbm:s7], $0x2800  }
0x15: {  	_ =	swait.ge [sflag:s18], $0x2800  }
0x16: {  	[sflag:s18] =	ssyncset.done $0x0  }
0x17: {  	[sflag:s18] =	ssyncadd.s32 $0xFFFFD800  }
0x18: {  	[bflag:$0x0] =	sbarrier.arrive $0xFFFF  }
0x19: {  	[tilespmem:s3], [sflag:$0x2] =	stream.linear.gather [hbm4b:s10+s3], $0x58, $0x38;
	[tilespmem:$0x16680] =	vst v63  }
0x1a: {  	_ = 	snop  }
0x1b: {  	[tilespmem:s19], [sflag:$0x2] =	stream.linear.gather [hbm4b:s11+s3], $0x58, $0x38;
	[tilespmem:$0x16680] =	vst v63  }
0x1c: {  	_ =	swait.ge [sflag:s20], $0x58  }
0x1d: {  	[sflag:s20] =	ssyncset.done $0x0  }
0x1e: {  	[sflag:s20] =	ssyncadd.s32 $0xFFFFFFA8  }
0x1f: {  	_ =	swait.ge [sflag:s20], $0x58  }
0x20: {  	[sflag:s20] =	ssyncset.done $0x0  }
0x21: {  	s29 =	sadd.s32 $0x0, s16;
	[sflag:s20] =	ssyncadd.s32 $0xFFFFFFA8  }
0x22: {  	[tilespmem:s21], [sflag:$0x3] =	stream.linear.gather [hbm4b:s29+s3], $0x58, $0x38;
	[tilespmem:$0x16680] =	vst v63  }
0x23: {  	s29 =	sadd.s32 $0x0, s15  }
0x24: {  	[tilespmem:s22], [sflag:$0x3] =	stream.linear.gather [hbm4b:s29+s3], $0x58, $0x38;
	[tilespmem:$0x16680] =	vst v63  }
0x25: {  	_ = 	snop  }
0x26: {  	[tilespmem:s24], [sflag:$0x1] =	stream.indirect.gather [hbm4b:s4+s23], $0x80, s3, s23, $0xb8;
	[tilespmem:$0x16680] =	vst v63  }
0x27: {  	_ =	swait.ge [sflag:s25], $0x2C00  }
0x28: {  	[sflag:s25] =	ssyncset.done $0x0  }
0x29: {  	[sflag:s25] =	ssyncadd.s32 $0xFFFFD400  }
0x2a: {  	[spmem:s2] =	stream.indirect.scatter.add.f32 [tilespmem:s24], [sflag:$0x4], $0x80, s19, s23, $0xb8;
	[tilespmem:$0x16680] =	vst v63  }
0x2b: {  	_ =	swait.ge [sflag:s18], $0x2C00  }
0x2c: {  	[sflag:s18] =	ssyncset.done $0x0  }
0x2d: {  	[sflag:s18] =	ssyncadd.s32 $0xFFFFD400  }
0x2e: {  	_ =	swait.ge [sflag:s26], $0x58  }
0x2f: {  	[sflag:s26] =	ssyncset.done $0x0  }
0x30: {  	p0 =	slt.s32 s14, s9;
	s29 =	smov.u32 s9;
	[sflag:s26] =	ssyncadd.s32 $0xFFFFFFA8  }
0x31: {  	s29 =	smov.u32 @p0 s14;
	_ =	swait.ge [sflag:s26], $0x58  }
0x32: {  	s29 =	sshrl.u32 s29, $0x3;
	[sflag:s26] =	ssyncset.done $0x0  }
0x33: {  	s30 =	sadd.s32 s5, s29;
	[sflag:s26] =	ssyncadd.s32 $0xFFFFFFA8  }
0x34: {  	[tilespmem:s3], [sflag:$0x2] =	stream.linear.gather [hbm4b:s30+s3], $0x58, $0x38;
	[tilespmem:$0x16680] =	vst v63  }
0x35: {  	s29 =	sadd.s32 s6, s29  }
0x36: {  	[tilespmem:s19], [sflag:$0x2] =	stream.linear.gather [hbm4b:s29+s3], $0x58, $0x38;
	[tilespmem:$0x16680] =	vst v63  }
0x37: {  	_ = 	snop  }
0x38: {  	[tilespmem:s24], [sflag:$0x1] =	stream.indirect.gather [hbm4b:s4+s23], $0x80, s21, s23, $0xb8;
	[tilespmem:$0x16680] =	vst v63  }
0x39: {  	_ =	swait.ge [sflag:s25], $0x2C00  }
0x3a: {  	[sflag:s25] =	ssyncset.done $0x0  }
0x3b: {  	[sflag:s25] =	ssyncadd.s32 $0xFFFFD400  }
0x3c: {  	[spmem:s2] =	stream.indirect.scatter.add.f32 [tilespmem:s24], [sflag:$0x4], $0x80, s22, s23, $0xb8;
	[tilespmem:$0x16680] =	vst v63  }
0x3d: {  	_ =	swait.ge [sflag:s18], $0x2C00  }
0x3e: {  	s30 =	smov.u32 s14;
	s29 =	simm.s32 $0x16;
	[sflag:s18] =	ssyncset.done $0x0  }
.LBB2_2:
0x3f: {  	p0 =	sne.s32 s29, $0x4D0;
	[sflag:s18] =	ssyncadd.s32 $0xFFFFD400;
	s30 =	sadd.s32 $0xB0, s30  }
0x40: {  	s31 =	smov.u32 s29;
	s29 =	sadd.s32 $0x16, s29;
	_ =	swait.ge [sflag:s20], $0x58  }
0x41: {  	[sflag:s20] =	ssyncset.done $0x0  }
0x42: {  	[sflag:s20] =	ssyncadd.s32 $0xFFFFFFA8  }
0x43: {  	_ =	swait.ge [sflag:s20], $0x58  }
0x44: {  	[sflag:s20] =	ssyncset.done $0x0  }
0x45: {  	s0 =	sadd.s32 s31, s16;
	[sflag:s20] =	ssyncadd.s32 $0xFFFFFFA8  }
0x46: {  	[tilespmem:s21], [sflag:$0x3] =	stream.linear.gather [hbm4b:s0+s3], $0x58, $0x38;
	[tilespmem:$0x16680] =	vst v63  }
0x47: {  	s0 =	sadd.s32 s31, s15  }
0x48: {  	[tilespmem:s22], [sflag:$0x3] =	stream.linear.gather [hbm4b:s0+s3], $0x58, $0x38;
	[tilespmem:$0x16680] =	vst v63  }
0x49: {  	_ = 	snop  }
0x4a: {  	[tilespmem:s24], [sflag:$0x1] =	stream.indirect.gather [hbm4b:s4+s23], $0x80, s3, s23, $0xb8;
	[tilespmem:$0x16680] =	vst v63  }
0x4b: {  	_ =	swait.ge [sflag:s25], $0x2C00  }
0x4c: {  	[sflag:s25] =	ssyncset.done $0x0  }
0x4d: {  	[sflag:s25] =	ssyncadd.s32 $0xFFFFD400  }
0x4e: {  	[spmem:s2] =	stream.indirect.scatter.add.f32 [tilespmem:s24], [sflag:$0x4], $0x80, s19, s23, $0xb8;
	[tilespmem:$0x16680] =	vst v63  }
0x4f: {  	_ =	swait.ge [sflag:s18], $0x2C00  }
0x50: {  	[sflag:s18] =	ssyncset.done $0x0  }
0x51: {  	[sflag:s18] =	ssyncadd.s32 $0xFFFFD400  }
0x52: {  	_ =	swait.ge [sflag:s26], $0x58  }
0x53: {  	[sflag:s26] =	ssyncset.done $0x0  }
0x54: {  	p1 =	slt.s32 s30, s9;
	s0 =	smov.u32 s9;
	[sflag:s26] =	ssyncadd.s32 $0xFFFFFFA8  }
0x55: {  	s0 =	smov.u32 @p1 s30;
	_ =	swait.ge [sflag:s26], $0x58  }
0x56: {  	s0 =	sshrl.u32 s0, $0x3;
	[sflag:s26] =	ssyncset.done $0x0  }
0x57: {  	s31 =	sadd.s32 s5, s0;
	[sflag:s26] =	ssyncadd.s32 $0xFFFFFFA8  }
0x58: {  	[tilespmem:s3], [sflag:$0x2] =	stream.linear.gather [hbm4b:s31+s3], $0x58, $0x38;
	[tilespmem:$0x16680] =	vst v63  }
0x59: {  	s0 =	sadd.s32 s6, s0  }
0x5a: {  	[tilespmem:s19], [sflag:$0x2] =	stream.linear.gather [hbm4b:s0+s3], $0x58, $0x38;
	[tilespmem:$0x16680] =	vst v63  }
0x5b: {  	_ = 	snop  }
0x5c: {  	[tilespmem:s24], [sflag:$0x1] =	stream.indirect.gather [hbm4b:s4+s23], $0x80, s21, s23, $0xb8;
	[tilespmem:$0x16680] =	vst v63  }
0x5d: {  	_ =	swait.ge [sflag:s25], $0x2C00  }
.Ltmp0:
0x5e: {  	[sflag:s25] =	ssyncset.done $0x0;
	(pc) =	sbr.rel @p0 .LBB2_2-.Ltmp0, $4  }
0x5f: {  	[sflag:s25] =	ssyncadd.s32 $0xFFFFD400  }
0x60: {  	[spmem:s2] =	stream.indirect.scatter.add.f32 [tilespmem:s24], [sflag:$0x4], $0x80, s22, s23, $0xb8;
	[tilespmem:$0x16680] =	vst v63  }
0x61: {  	_ =	swait.ge [sflag:s18], $0x2C00  }
0x62: {  	[sflag:s18] =	ssyncset.done $0x0  }
0x63: {  	[sflag:s18] =	ssyncadd.s32 $0xFFFFD400  }
0x64: {  	_ =	swait.ge [sflag:s20], $0x58  }
0x65: {  	[sflag:s20] =	ssyncset.done $0x0  }
0x66: {  	[sflag:s20] =	ssyncadd.s32 $0xFFFFFFA8  }
0x67: {  	_ =	swait.ge [sflag:s20], $0x58  }
0x68: {  	s28 =	sadd.s32 $0x1, s28;
	[sflag:s20] =	ssyncset.done $0x0  }
0x69: {  	p0 =	sne.s32 s28, s13;
	[sflag:s20] =	ssyncadd.s32 $0xFFFFFFA8  }
.Ltmp1:
0x6a: {  	[bflag:$0x0] =	sbarrier.arrive $0xFFFF;
	(pc) =	sbr.rel @p0 .LBB2_1-.Ltmp1, $4  }
0x6b: {  	[hbm:s12], [sflag:s8] =	dma.local [spmem:s17], $0x2800  }
0x6c: {  	_ =	swait.ge [sflag:s18], $0x2800  }
0x6d: {  	[sflag:s18] =	ssyncset.done $0x0  }
0x6e: {  	[sflag:s18] =	ssyncadd.s32 $0xFFFFD800  }
0x6f: {  	_ =	sfence.sel $0x180000  }
0x70: {  	[bflag:$0x0] =	sbarrier.arrive $0xFFFF  }
0x71: {  	_ =	strace $0x9000004D  }
0x72: {  	[bflag:$0x2] =	sbarrier.arrive $0xFFFF  }
0x73: {  	p0 =	sne.s32 s1, $0x0;
	s0 =	rddreg [dreg:$0x2]  }
0x74: {  	s0 =	sadd.s32 @!p0 $0x100000, s0  }
0x75: {  	[sflag:s0] =	ssyncadd.tile.s32 @!p0 $0x1;
	_ =	shalt  }
.Lfunc_end2:
_tile_overlayer_lowered:
.L_overlay_start_2:
0x76: {  	(tag) =	ssettag $0x2  }
0x77: {  	s0 =	rddreg [dreg:$0x0];
	s2 =	stileid.u32  }
0x78: {  	s1 =	rddreg [dreg:$0x1];
	p0 =	sne.s32 s2, $0x0  }
0x79: {  	s3 =	rddreg [dreg:$0x2];
	[bflag:$0x3] =	sbarrier.arrive $0xFFFF;
	s2 =	simm.s32 @!p0 $0x1C04  }
0x7a: {  	[timem:s3], [sflag:s2] =	dma.local @!p0 [hbm:s0], s1  }
0x7b: {  	s0 =	simm.s32 @!p0 $0x4  }
0x7c: {  	_ =	swait.ge @!p0 [sflag:s0], s1  }
0x7d: {  	s1 =	ssub.s32 @!p0 $0x0, s1;
	[sflag:s0] =	ssyncset.done @!p0 $0x0  }
0x7e: {  	[sflag:s0] =	ssyncadd.s32 @!p0 s1  }
0x7f: {  	[bflag:$0x3] =	sbarrier.arrive $0xFFFF  }
0x80: {  	_ =	shalt  }

// kernel: kernel.20.cloned.1.call-start
scs
__scs_entry_jumppad:
0x0: {  	(pc) =	sbr.rel $0x88, $3  }
0x1: {  	(tag) =	ssettag $0x0;
	lr =	simm.s32 $0x1  }
0x2: {  	[smem:$0x3F91] =	sst lr;
	_ =	strace $0xD0000000  }
0x3: {  	_ = 	snop  }
0x4: {  	_ = 	snop  }
0x5: {  	_ = 	snop  }
0x6: {  	_ = 	snop  }
0x7: {  	_ = 	snop  }
__scs_overlays_trampoline_lowered:
0x8: {  	[smem:$0x3FA0] =	sst s0  }
0x9: {  	[smem:$0x3FA1] =	sst s1  }
0xa: {  	[smem:$0x3FA2] =	sst s2  }
0xb: {  	[smem:$0x3FA3] =	sst s3  }
0xc: {  	[smem:$0x3FA4] =	sst s4  }
0xd: {  	[smem:$0x3FA5] =	sst s5  }
0xe: {  	[smem:$0x3FA6] =	sst s6  }
0xf: {  	[smem:$0x3FA7] =	sst s7  }
0x10: {  	[smem:$0x3FA8] =	sst s8  }
0x11: {  	[smem:$0x3FA9] =	sst s9;
	s0 =	simm.s32 @!p0 $0x0  }
0x12: {  	s1 =	sld [smem:$0x3F8F];
	s0 =	simm.s32 @p0 $0x1  }
0x13: {  	[smem:$0x3FAA] =	sst s0;
	s0 =	simm.s32 @!p1 $0x0  }
0x14: {  	s2 =	sld [smem:$0x3F8E];
	s0 =	simm.s32 @p1 $0x1  }
0x15: {  	[smem:$0x3FAB] =	sst s0;
	s0 =	simm.s32 @!p2 $0x0  }
0x16: {  	s3 =	sld [smem:$0x3FDB];
	s0 =	simm.s32 @p2 $0x1  }
0x17: {  	s4 =	simm.s32 $0x1BF5;
	[smem:$0x3FAD] =	sst s0  }
0x18: {  	s0 =	sld [smem:$0x3F90];
	_ =	swait.ge [sflag:s4], $0x0  }
0x19: {  	s7 =	sld [smem:$0x3F91]  }
0x1a: {  	s8 =	sadd.s32 $0xFFFFE003, lr  }
0x1b: {  	s9 =	sadd.s32 $0xFFFFFEF7, lr;
	s5 =	simm.s32 $0xFFFFFFFF;
	p2 =	slt.u32 s8, $0xFFFFF086  }
0x1c: {  	p1 =	slt.u32 s9, $0xF7A;
	s5 =	simm.s32 @!p2 $0x0  }
0x1d: {  	s5 =	simm.s32 @p1 $0x1;
	p0 =	seq.s32 s7, s2  }
0x1e: {  	s7 =	smul.u32 @!p0 $0xF7A, s2;
	p2 =	seq.s32 @!p0 s5, $0x0  }
0x1f: {  	s9 =	smul.u32 $0xF7A, s1;
	s8 =	simm.s32 @!p0 $0x1BF5;
	p2 =	por !p2, p0  }
0x20: {  	[sflag:s8] =	ssyncset.s32 @!p0 $0xFFFFF086;
	s6 =	sadd.s32 @!p0 s3, s7;
	s7 =	simm.s32 @!p0 $0x108  }
0x21: {  	s3 =	sadd.s32 s3, s9;
	s6 =	sadd.s32 @!p0 $0x88, s6;
	s7 =	simm.s32 @p2 $0x1082  }
0x22: {  	[simem:s7], [sflag:s8] =	dma.local @!p0 [hbm:s6], $0xF7A  }
0x23: {  	s9 =	sor.u32 $0xD0000000, s2;
	s6 =	simm.s32 $0x108;
	_ =	swait.ge @!p0 [sflag:s8], $0x0  }
0x24: {  	s3 =	sadd.s32 $0x88, s3;
	s6 =	simm.s32 @!p1 $0x1082;
	[sflag:s4] =	ssyncset.s32 $0xFFFFF086  }
0x25: {  	[simem:s6], [sflag:s4] =	dma.local [hbm:s3], $0xF7A  }
0x26: {  	[smem:$0x3F91] =	sst s1;
	(tag) =	ssettag s2;
	_ =	strace s9  }
0x27: {  	s1 =	sld [smem:$0x3FA1]  }
0x28: {  	s2 =	sld [smem:$0x3FA2]  }
0x29: {  	s4 =	sld [smem:$0x3FA4]  }
0x2a: {  	p0 =	seq.s32 s5, $0x0;
	s5 =	sld [smem:$0x3FA5]  }
0x2b: {  	s6 =	sld [smem:$0x3FA6]  }
0x2c: {  	s7 =	sld [smem:$0x3FA7]  }
0x2d: {  	s3 =	simm.s32 $0x108;
	s8 =	sld [smem:$0x3FA8]  }
0x2e: {  	s3 =	simm.s32 @!p0 $0x1082;
	s9 =	sld [smem:$0x3FA9]  }
0x2f: {  	lr =	sadd.s32 s0, s3;
	s0 =	sld [smem:$0x3FA0]  }
0x30: {  	s3 =	sld [smem:$0x3FA3]  }
0x31: {  	[smem:$0x3FAC] =	sst s10  }
0x32: {  	s10 =	sld [smem:$0x3FAA];
	_ =	sdelay $0x3  }
0x33: {  	p0 =	seq.s32 s10, $0x1;
	s10 =	sld [smem:$0x3FAC];
	_ =	sdelay $0x3  }
0x34: {  	[smem:$0x3FAC] =	sst s10  }
0x35: {  	s10 =	sld [smem:$0x3FAB];
	_ =	sdelay $0x3  }
0x36: {  	p1 =	seq.s32 s10, $0x1;
	s10 =	sld [smem:$0x3FAC];
	_ =	sdelay $0x3  }
0x37: {  	[smem:$0x3FAC] =	sst s10  }
0x38: {  	s10 =	sld [smem:$0x3FAD]  }
0x39: {  	_ = 	snop;
	(pc) =	sbr.ind lr, $3  }
0x3a: {  	_ = 	snop  }
0x3b: {  	_ = 	snop  }
0x3c: {  	p2 =	seq.s32 s10, $0x1;
	s10 =	sld [smem:$0x3FAC]  }
0x3d: {  	_ =	shalt  }
0x3e: {  	_ =	shalt  }
0x3f: {  	_ =	shalt  }
0x40: {  	_ =	shalt  }
0x41: {  	_ =	shalt  }
0x42: {  	_ =	shalt  }
0x43: {  	_ =	shalt  }
0x44: {  	_ =	shalt  }
0x45: {  	_ =	shalt  }
0x46: {  	_ =	shalt  }
0x47: {  	_ =	shalt  }
0x48: {  	_ =	shalt  }
0x49: {  	_ =	shalt  }
0x4a: {  	_ =	shalt  }
0x4b: {  	_ =	shalt  }
0x4c: {  	_ =	shalt  }
0x4d: {  	_ =	shalt  }
0x4e: {  	_ =	shalt  }
0x4f: {  	_ =	shalt  }
0x50: {  	_ =	shalt  }
0x51: {  	_ =	shalt  }
0x52: {  	_ =	shalt  }
0x53: {  	_ =	shalt  }
0x54: {  	_ =	shalt  }
0x55: {  	_ =	shalt  }
0x56: {  	_ =	shalt  }
0x57: {  	_ =	shalt  }
0x58: {  	_ =	shalt  }
0x59: {  	_ =	shalt  }
0x5a: {  	_ =	shalt  }
0x5b: {  	_ =	shalt  }
0x5c: {  	_ =	shalt  }
0x5d: {  	_ =	shalt  }
0x5e: {  	_ =	shalt  }
0x5f: {  	_ =	shalt  }
0x60: {  	_ =	shalt  }
0x61: {  	_ =	shalt  }
0x62: {  	_ =	shalt  }
0x63: {  	_ =	shalt  }
0x64: {  	_ =	shalt  }
0x65: {  	_ =	shalt  }
0x66: {  	_ =	shalt  }
0x67: {  	_ =	shalt  }
0x68: {  	_ =	shalt  }
0x69: {  	_ =	shalt  }
0x6a: {  	_ =	shalt  }
0x6b: {  	_ =	shalt  }
0x6c: {  	_ =	shalt  }
0x6d: {  	_ =	shalt  }
0x6e: {  	_ =	shalt  }
0x6f: {  	_ =	shalt  }
0x70: {  	_ =	shalt  }
0x71: {  	_ =	shalt  }
0x72: {  	_ =	shalt  }
0x73: {  	_ =	shalt  }
0x74: {  	_ =	shalt  }
0x75: {  	_ =	shalt  }
0x76: {  	_ =	shalt  }
0x77: {  	_ =	shalt  }
0x78: {  	_ =	shalt  }
0x79: {  	_ =	shalt  }
0x7a: {  	_ =	shalt  }
0x7b: {  	_ =	shalt  }
0x7c: {  	_ =	shalt  }
0x7d: {  	_ =	shalt  }
0x7e: {  	_ =	shalt  }
0x7f: {  	_ =	shalt  }
0x80: {  	_ =	shalt  }
0x81: {  	_ =	shalt  }
0x82: {  	_ =	shalt  }
0x83: {  	_ =	shalt  }
0x84: {  	_ =	shalt  }
0x85: {  	_ =	shalt  }
0x86: {  	_ =	shalt  }
0x87: {  	_ =	shalt  }
.Lfunc_end0:
.L_simem_size_0:
called_computation.3_lowered:
.L_overlay_start_0:
0x88: {  	s2 =	sld [smem:$0x3FD9]  }
0x89: {  	s3 =	sld [smem:$0x3FFE];
	_ =	sdelay $0x1  }
0x8a: {  	s1 =	srdreg.scid  }
0x8b: {  	s0 =	sand.u32 $0x1, s1  }
0x8c: {  	s14 =	sshll.u32 s0, $0xA;
	s2 =	sadd.s32 s3, s2  }
0x8d: {  	s2 =	sadd.s32 s2, s14  }
0x8e: {  	[smem:$0x3FB8] =	sst s2  }
0x8f: {  	_ = 	snop  }
0x90: {  	s2 =	sld [smem:$0x3FD0]  }
0x91: {  	s15 =	sld [smem:$0x3FC5]  }
0x92: {  	s4 =	sld [smem:$0x3FC4]  }
0x93: {  	s6 =	simm.s32 $0xA;
	s7 =	simm.s32 $0x10;
	s5 =	sld [smem:$0x3FC3]  }
0x94: {  	[smem:s7], [sflag:s6] =	dma.local [hbm:s2], $0x1  }
0x95: {  	_ =	swait.eq [sflag:s6], $0x1  }
0x96: {  	[sflag:s6] =	ssyncset.done $0x0  }
0x97: {  	s16 =	sld [smem:$0x10];
	[sflag:s6] =	ssyncadd.s32 $0xFFFFFFFF  }
0x98: {  	s17 =	sld [smem:$0x11];
	(tm) =	ssettm $0x1  }
0x99: {  	s18 =	sld [smem:$0x3FFB];
	_ =	sdelay $0x3  }
0x9a: {  	_ =	strace s18  }
0x9b: {  	s7 =	sld [smem:$0x3FFC];
	_ =	sdelay $0x3  }
0x9c: {  	_ =	strace s7  }
0x9d: {  	s7 =	sld [smem:$0x3FFD];
	_ =	sdelay $0x3  }
0x9e: {  	_ =	strace s7  }
0x9f: {  	_ =	strace $0x8FFFFFFF  }
0xa0: {  	s19 =	sld [smem:$0x3FDB];
	_ =	sdelay $0x1  }
0xa1: {  	s8 =	simm.s32 $_scs_section_size  }
0xa2: {  	s9 =	simm.s32 $_size__tile_overlayer_lowered;
	s10 =	simm.s32 $_tile_overlayer_lowered  }
0xa3: {  	s22 =	simm.s32 $0x1BFF;
	s21 =	sshll.u32 s10, $0x1;
	s7 =	sadd.s32 s8, s19  }
0xa4: {  	s11 =	simm.s32 $0x0;
	s20 =	sshll.u32 s9, $0x1;
	s9 =	sadd.s32 s21, s7  }
0xa5: {  	[timem:s11], [sflag:s22] =	dma.local [hbm:s9], s20  }
0xa6: {  	_ =	swait.ge [sflag:s22], s20  }
0xa7: {  	s8 =	ssub.s32 $0x0, s20;
	[sflag:s22] =	ssyncset.done $0x0  }
0xa8: {  	[sflag:s22] =	ssyncadd.s32 s8;
	_ =	sdelay $0x1  }
0xa9: {  	s23 =	simm.s32 $0x1B8B  }
0xaa: {  	_ =	swait.ge [sflag:s23], $0x1  }
0xab: {  	[sflag:s23] =	ssyncset.done $0x0  }
0xac: {  	s25 =	simm.s32 $0x1B8E;
	s24 =	sld [smem:$0x3FFE];
	[sflag:s23] =	ssyncadd.s32 $0xFFFFFFFF  }
0xad: {  	s26 =	simm.s32 $execute0_lowered;
	[smem:$0x3FD2] =	sst s25  }
0xae: {  	s9 =	sshll.u32 s26, $0x1;
	_ =	strace $0x8000004F;
	[dreg:$0x1] =	wrdreg $0xFFFFFFFF  }
0xaf: {  	s28 =	simm.s32 $_size_execute0_lowered;
	s7 =	sadd.s32 s7, s9;
	[dreg:$0x0] =	wrdreg $0x0  }
0xb0: {  	s9 =	sshll.u32 s28, $0x1;
	[dreg:$0x2] =	wrdreg s7  }
0xb1: {  	[dreg:$0x3] =	wrdreg s9  }
0xb2: {  	[dreg:$0x4] =	wrdreg $0xC0  }
0xb3: {  	_ =	task [dreg:s11], $0x5FFFF  }
0xb4: {  	[dreg:$0x1] =	wrdreg $0xFFFFFFFF  }
0xb5: {  	[dreg:$0x0] =	wrdreg $0x60  }
0xb6: {  	[dreg:$0x2] =	wrdreg s16  }
0xb7: {  	[dreg:$0x3] =	wrdreg s17  }
0xb8: {  	[dreg:$0x4] =	wrdreg s15  }
0xb9: {  	[dreg:$0x5] =	wrdreg s4  }
0xba: {  	[dreg:$0x6] =	wrdreg s5  }
0xbb: {  	[dreg:$0x7] =	wrdreg s24  }
0xbc: {  	[dreg:$0x8] =	wrdreg $0x9  }
0xbd: {  	_ =	task.clear_ibuf [dreg:s11], $0x9FFFF;
	_ =	strace $0x9000004F  }
0xbe: {  	s29 =	simm.s32 $0x9;
	_ =	strace $0x80000051  }
0xbf: {  	_ =	swait.ge [sflag:s29], $0x1  }
0xc0: {  	[sflag:s29] =	ssyncadd.s32 $0xFFFFFFFF  }
0xc1: {  	_ =	strace $0x90000051  }
0xc2: {  	_ =	sfence  }
0xc3: {  	s30 =	sld [smem:$0x0];
	_ =	sdelay $0x2  }
0xc4: {  	s31 =	sshll.u32 s1, $0xD;
	s1 =	sshrl.u32 s1, $0x2  }
0xc5: {  	s3 =	sand.u32 $0x4000, s31;
	s1 =	sadd.s32 s1, s30  }
0xc6: {  	s0 =	sor.u32 s3, s0;
	s1 =	sshll.u32 s1, $0x11  }
0xc7: {  	s0 =	sor.u32 s1, s0  }
0xc8: {  	s0 =	sadd.s32 $0x8F2B, s0  }
0xc9: {  	[sflag:s0] =	ssyncadd.remote.s32 $0x1  }
0xca: {  	_ =	sfence.sel $0xFFFF  }
0xcb: {  	[dreg:$0x0] =	wrdreg $0xFFFFFFFF;
	(pc) =	sbr.abs _section_cstart, $3  }
0xcc: {  	[dreg:$0x1] =	wrdreg $0xFFFFFFFF  }
0xcd: {  	_ =	task.clear_ibuf [dreg:s11], $0x2FFFF;
	_ =	strace $0x9FFFFFFF  }
0xce: {  	(tm) =	ssettm $0x7FFFFFFF  }
0xcf: {  	_ =	shalt  }
tec
execute0_lowered:
.L_overlay_start_1:
0x0: {  	(tag) =	ssettag $0x1  }
0x1: {  	s0 =	rddreg [dreg:$0x0]  }
0x2: {  	s2 =	rddreg [dreg:$0x1]  }
0x3: {  	s10 =	rddreg [dreg:$0x2]  }
0x4: {  	s14 =	rddreg [dreg:$0x3];
	s3 =	srdreg.scid  }
0x5: {  	s18 =	rddreg [dreg:$0x4];
	s1 =	stileid.u32;
	s19 =	sand.u32 $0x1, s3  }
0x6: {  	s17 =	rddreg [dreg:$0x5];
	s5 =	sshll.u32 s1, $0x9;
	s6 =	sshll.u32 s19, $0x8  }
0x7: {  	s4 =	simm.s32 $0x0;
	s3 =	rddreg [dreg:$0x6];
	s11 =	sor.u32 s6, s5  }
0x8: {  	[smem:$0x7FF] =	sst s4;
	s16 =	sshrl.u32 s11, $0x3  }
0x9: {  	_ =	strace $0x80000050;
	s5 =	simm.s32 $0x2;
	s6 =	sadd.s32 s10, s16  }
0xa: {  	[tilespmem:s4], [sflag:$0x2] =	stream.linear.gather [hbm4b:s6+s4], $0x80, $0x38;
	[tilespmem:$0x4080] =	vst v63  }
0xb: {  	_ =	swait.ge [sflag:s5], $0x80  }
0xc: {  	[sflag:s5] =	ssyncset.done $0x0  }
0xd: {  	s7 =	simm.s32 $0x80;
	s8 =	simm.s32 $0x1;
	[sflag:s5] =	ssyncadd.s32 $0xFFFFFF80  }
0xe: {  	[tilespmem:s7], [sflag:$0x1] =	stream.indirect.gather [hbm4b:s0+s7], $0x80, s4, s7, $0xb8;
	[tilespmem:$0x4080] =	vst v63  }
0xf: {  	_ =	swait.ge [sflag:s8], $0x4000  }
0x10: {  	s12 =	sadd.s32 $0x3C00, s17;
	s20 =	sshll.u32 s11, $0x4;
	[sflag:s8] =	ssyncset.done $0x0  }
0x11: {  	s9 =	sadd.s32 s12, s20;
	[sflag:s8] =	ssyncadd.s32 $0xFFFFC000  }
0x12: {  	[hbm4b:s9+s4] =	stream.linear.scatter [tilespmem:s7], [sflag:$0x2], $0x4000, $0x38;
	[tilespmem:$0x4080] =	vst v63  }
0x13: {  	s11 =	sor.u32 $0x80, s11;
	_ =	swait.ge [sflag:s5], $0x4000  }
0x14: {  	s22 =	sshrl.u32 s11, $0x3;
	[sflag:s5] =	ssyncset.done $0x0  }
0x15: {  	s10 =	sadd.s32 s10, s22;
	[sflag:s5] =	ssyncadd.s32 $0xFFFFC000  }
0x16: {  	[tilespmem:s4], [sflag:$0x2] =	stream.linear.gather [hbm4b:s10+s4], $0x80, $0x38;
	[tilespmem:$0x4080] =	vst v63  }
0x17: {  	_ =	swait.ge [sflag:s5], $0x80  }
0x18: {  	[sflag:s5] =	ssyncset.done $0x0  }
0x19: {  	[sflag:s5] =	ssyncadd.s32 $0xFFFFFF80  }
0x1a: {  	[tilespmem:s7], [sflag:$0x1] =	stream.indirect.gather [hbm4b:s0+s7], $0x80, s4, s7, $0xb8;
	[tilespmem:$0x4080] =	vst v63  }
0x1b: {  	_ =	swait.ge [sflag:s8], $0x4000  }
0x1c: {  	s21 =	sshll.u32 s11, $0x4;
	[sflag:s8] =	ssyncset.done $0x0  }
0x1d: {  	s11 =	sadd.s32 s12, s21;
	[sflag:s8] =	ssyncadd.s32 $0xFFFFC000  }
0x1e: {  	[hbm4b:s11+s4] =	stream.linear.scatter [tilespmem:s7], [sflag:$0x2], $0x4000, $0x38;
	[tilespmem:$0x4080] =	vst v63  }
0x1f: {  	_ =	swait.ge [sflag:s5], $0x4000  }
0x20: {  	[sflag:s5] =	ssyncset.done $0x0  }
0x21: {  	s12 =	sadd.s32 s14, s16;
	[sflag:s5] =	ssyncadd.s32 $0xFFFFC000  }
0x22: {  	[tilespmem:s4], [sflag:$0x2] =	stream.linear.gather [hbm4b:s12+s4], $0x80, $0x38;
	[tilespmem:$0x4080] =	vst v63  }
0x23: {  	_ =	swait.ge [sflag:s5], $0x80  }
0x24: {  	[sflag:s5] =	ssyncset.done $0x0  }
0x25: {  	[sflag:s5] =	ssyncadd.s32 $0xFFFFFF80  }
0x26: {  	[tilespmem:s7], [sflag:$0x1] =	stream.indirect.gather [hbm4b:s2+s7], $0x80, s4, s7, $0xb8;
	[tilespmem:$0x4080] =	vst v63  }
0x27: {  	_ =	swait.ge [sflag:s8], $0x4000  }
0x28: {  	s15 =	sadd.s32 $0x23C00, s17;
	[sflag:s8] =	ssyncset.done $0x0  }
0x29: {  	s13 =	sadd.s32 s20, s15;
	[sflag:s8] =	ssyncadd.s32 $0xFFFFC000  }
0x2a: {  	[hbm4b:s13+s4] =	stream.linear.scatter [tilespmem:s7], [sflag:$0x2], $0x4000, $0x38;
	[tilespmem:$0x4080] =	vst v63  }
0x2b: {  	_ =	swait.ge [sflag:s5], $0x4000  }
0x2c: {  	[sflag:s5] =	ssyncset.done $0x0  }
0x2d: {  	s14 =	sadd.s32 s14, s22;
	[sflag:s5] =	ssyncadd.s32 $0xFFFFC000  }
0x2e: {  	[tilespmem:s4], [sflag:$0x2] =	stream.linear.gather [hbm4b:s14+s4], $0x80, $0x38;
	[tilespmem:$0x4080] =	vst v63  }
0x2f: {  	_ =	swait.ge [sflag:s5], $0x80  }
0x30: {  	[sflag:s5] =	ssyncset.done $0x0  }
0x31: {  	[sflag:s5] =	ssyncadd.s32 $0xFFFFFF80  }
0x32: {  	[tilespmem:s7], [sflag:$0x1] =	stream.indirect.gather [hbm4b:s2+s7], $0x80, s4, s7, $0xb8;
	[tilespmem:$0x4080] =	vst v63  }
0x33: {  	_ =	swait.ge [sflag:s8], $0x4000  }
0x34: {  	[sflag:s8] =	ssyncset.done $0x0  }
0x35: {  	s15 =	sadd.s32 s21, s15;
	[sflag:s8] =	ssyncadd.s32 $0xFFFFC000  }
0x36: {  	[hbm4b:s15+s4] =	stream.linear.scatter [tilespmem:s7], [sflag:$0x2], $0x4000, $0x38;
	[tilespmem:$0x4080] =	vst v63  }
0x37: {  	_ =	swait.ge [sflag:s5], $0x4000  }
0x38: {  	[sflag:s5] =	ssyncset.done $0x0  }
0x39: {  	s16 =	sadd.s32 s18, s16;
	[sflag:s5] =	ssyncadd.s32 $0xFFFFC000  }
0x3a: {  	[tilespmem:s4], [sflag:$0x2] =	stream.linear.gather [hbm4b:s16+s4], $0x80, $0x38;
	[tilespmem:$0x4080] =	vst v63  }
0x3b: {  	_ =	swait.ge [sflag:s5], $0x80  }
0x3c: {  	[sflag:s5] =	ssyncset.done $0x0  }
0x3d: {  	[sflag:s5] =	ssyncadd.s32 $0xFFFFFF80  }
0x3e: {  	[tilespmem:s7], [sflag:$0x1] =	stream.indirect.gather [hbm4b:s2+s7], $0x80, s4, s7, $0xb8;
	[tilespmem:$0x4080] =	vst v63  }
0x3f: {  	_ =	swait.ge [sflag:s8], $0x4000  }
0x40: {  	s23 =	sadd.s32 $0x43C00, s17;
	[sflag:s8] =	ssyncset.done $0x0  }
0x41: {  	s17 =	sadd.s32 s20, s23;
	[sflag:s8] =	ssyncadd.s32 $0xFFFFC000  }
0x42: {  	[hbm4b:s17+s4] =	stream.linear.scatter [tilespmem:s7], [sflag:$0x2], $0x4000, $0x38;
	[tilespmem:$0x4080] =	vst v63  }
0x43: {  	_ =	swait.ge [sflag:s5], $0x4000  }
0x44: {  	[sflag:s5] =	ssyncset.done $0x0  }
0x45: {  	s19 =	ssub.s32 $0x2, s19;
	s18 =	sadd.s32 s18, s22;
	[sflag:s5] =	ssyncadd.s32 $0xFFFFC000  }
0x46: {  	[tilespmem:s4], [sflag:$0x2] =	stream.linear.gather [hbm4b:s18+s4], $0x80, $0x38;
	[tilespmem:$0x4080] =	vst v63  }
0x47: {  	s31 =	sshrl.u32 s19, $0x1;
	_ =	swait.ge [sflag:s5], $0x80  }
0x48: {  	s20 =	ssub.s32 s19, s31;
	[sflag:s5] =	ssyncset.done $0x0  }
0x49: {  	s20 =	smax.u32 s20, $0x1;
	[sflag:s5] =	ssyncadd.s32 $0xFFFFFF80  }
0x4a: {  	[tilespmem:s7], [sflag:$0x1] =	stream.indirect.gather [hbm4b:s2+s7], $0x80, s4, s7, $0xb8;
	[tilespmem:$0x4080] =	vst v63  }
0x4b: {  	p0 =	sne.s32 s20, $0x1;
	_ =	swait.ge [sflag:s8], $0x4000  }
.Ltmp0:
0x4c: {  	[sflag:s8] =	ssyncset.done $0x0;
	(pc) =	sbr.rel @!p0 .LBB2_2-.Ltmp0, $4  }
0x4d: {  	s19 =	sadd.s32 s21, s23;
	[sflag:s8] =	ssyncadd.s32 $0xFFFFC000  }
0x4e: {  	[hbm4b:s19+s4] =	stream.linear.scatter [tilespmem:s7], [sflag:$0x2], $0x4000, $0x38;
	[tilespmem:$0x4080] =	vst v63  }
0x4f: {  	_ =	swait.ge [sflag:s5], $0x4000  }
0x50: {  	s20 =	sadd.s32 $0xFFFFFFFF, s20;
	[sflag:s5] =	ssyncset.done $0x0  }
.LBB2_1:
0x51: {  	p0 =	sne.s32 s20, $0x1;
	s20 =	sadd.s32 $0xFFFFFFFF, s20;
	[sflag:s5] =	ssyncadd.s32 $0xFFFFC000  }
0x52: {  	[tilespmem:s4], [sflag:$0x2] =	stream.linear.gather [hbm4b:s6+s4], $0x80, $0x38;
	[tilespmem:$0x4080] =	vst v63  }
0x53: {  	_ =	swait.ge [sflag:s5], $0x80  }
0x54: {  	[sflag:s5] =	ssyncset.done $0x0  }
0x55: {  	[sflag:s5] =	ssyncadd.s32 $0xFFFFFF80  }
0x56: {  	[tilespmem:s7], [sflag:$0x1] =	stream.indirect.gather [hbm4b:s0+s7], $0x80, s4, s7, $0xb8;
	[tilespmem:$0x4080] =	vst v63  }
0x57: {  	_ =	swait.ge [sflag:s8], $0x4000  }
0x58: {  	[sflag:s8] =	ssyncset.done $0x0  }
0x59: {  	[sflag:s8] =	ssyncadd.s32 $0xFFFFC000  }
0x5a: {  	[hbm4b:s9+s4] =	stream.linear.scatter [tilespmem:s7], [sflag:$0x2], $0x4000, $0x38;
	[tilespmem:$0x4080] =	vst v63  }
0x5b: {  	_ =	swait.ge [sflag:s5], $0x4000  }
0x5c: {  	[sflag:s5] =	ssyncset.done $0x0  }
0x5d: {  	[sflag:s5] =	ssyncadd.s32 $0xFFFFC000  }
0x5e: {  	[tilespmem:s4], [sflag:$0x2] =	stream.linear.gather [hbm4b:s10+s4], $0x80, $0x38;
	[tilespmem:$0x4080] =	vst v63  }
0x5f: {  	_ =	swait.ge [sflag:s5], $0x80  }
0x60: {  	[sflag:s5] =	ssyncset.done $0x0  }
0x61: {  	[sflag:s5] =	ssyncadd.s32 $0xFFFFFF80  }
0x62: {  	[tilespmem:s7], [sflag:$0x1] =	stream.indirect.gather [hbm4b:s0+s7], $0x80, s4, s7, $0xb8;
	[tilespmem:$0x4080] =	vst v63  }
0x63: {  	_ =	swait.ge [sflag:s8], $0x4000  }
0x64: {  	[sflag:s8] =	ssyncset.done $0x0  }
0x65: {  	[sflag:s8] =	ssyncadd.s32 $0xFFFFC000  }
0x66: {  	[hbm4b:s11+s4] =	stream.linear.scatter [tilespmem:s7], [sflag:$0x2], $0x4000, $0x38;
	[tilespmem:$0x4080] =	vst v63  }
0x67: {  	_ =	swait.ge [sflag:s5], $0x4000  }
0x68: {  	[sflag:s5] =	ssyncset.done $0x0  }
0x69: {  	[sflag:s5] =	ssyncadd.s32 $0xFFFFC000  }
0x6a: {  	[tilespmem:s4], [sflag:$0x2] =	stream.linear.gather [hbm4b:s12+s4], $0x80, $0x38;
	[tilespmem:$0x4080] =	vst v63  }
0x6b: {  	_ =	swait.ge [sflag:s5], $0x80  }
0x6c: {  	[sflag:s5] =	ssyncset.done $0x0  }
0x6d: {  	[sflag:s5] =	ssyncadd.s32 $0xFFFFFF80  }
0x6e: {  	[tilespmem:s7], [sflag:$0x1] =	stream.indirect.gather [hbm4b:s2+s7], $0x80, s4, s7, $0xb8;
	[tilespmem:$0x4080] =	vst v63  }
0x6f: {  	_ =	swait.ge [sflag:s8], $0x4000  }
0x70: {  	[sflag:s8] =	ssyncset.done $0x0  }
0x71: {  	[sflag:s8] =	ssyncadd.s32 $0xFFFFC000  }
0x72: {  	[hbm4b:s13+s4] =	stream.linear.scatter [tilespmem:s7], [sflag:$0x2], $0x4000, $0x38;
	[tilespmem:$0x4080] =	vst v63  }
0x73: {  	_ =	swait.ge [sflag:s5], $0x4000  }
0x74: {  	[sflag:s5] =	ssyncset.done $0x0  }
0x75: {  	[sflag:s5] =	ssyncadd.s32 $0xFFFFC000  }
0x76: {  	[tilespmem:s4], [sflag:$0x2] =	stream.linear.gather [hbm4b:s14+s4], $0x80, $0x38;
	[tilespmem:$0x4080] =	vst v63  }
0x77: {  	_ =	swait.ge [sflag:s5], $0x80  }
0x78: {  	[sflag:s5] =	ssyncset.done $0x0  }
0x79: {  	[sflag:s5] =	ssyncadd.s32 $0xFFFFFF80  }
0x7a: {  	[tilespmem:s7], [sflag:$0x1] =	stream.indirect.gather [hbm4b:s2+s7], $0x80, s4, s7, $0xb8;
	[tilespmem:$0x4080] =	vst v63  }
0x7b: {  	_ =	swait.ge [sflag:s8], $0x4000  }
0x7c: {  	[sflag:s8] =	ssyncset.done $0x0  }
0x7d: {  	[sflag:s8] =	ssyncadd.s32 $0xFFFFC000  }
0x7e: {  	[hbm4b:s15+s4] =	stream.linear.scatter [tilespmem:s7], [sflag:$0x2], $0x4000, $0x38;
	[tilespmem:$0x4080] =	vst v63  }
0x7f: {  	_ =	swait.ge [sflag:s5], $0x4000  }
0x80: {  	[sflag:s5] =	ssyncset.done $0x0  }
0x81: {  	[sflag:s5] =	ssyncadd.s32 $0xFFFFC000  }
0x82: {  	[tilespmem:s4], [sflag:$0x2] =	stream.linear.gather [hbm4b:s16+s4], $0x80, $0x38;
	[tilespmem:$0x4080] =	vst v63  }
0x83: {  	_ =	swait.ge [sflag:s5], $0x80  }
0x84: {  	[sflag:s5] =	ssyncset.done $0x0  }
0x85: {  	[sflag:s5] =	ssyncadd.s32 $0xFFFFFF80  }
0x86: {  	[tilespmem:s7], [sflag:$0x1] =	stream.indirect.gather [hbm4b:s2+s7], $0x80, s4, s7, $0xb8;
	[tilespmem:$0x4080] =	vst v63  }
0x87: {  	_ =	swait.ge [sflag:s8], $0x4000  }
0x88: {  	[sflag:s8] =	ssyncset.done $0x0  }
0x89: {  	[sflag:s8] =	ssyncadd.s32 $0xFFFFC000  }
0x8a: {  	[hbm4b:s17+s4] =	stream.linear.scatter [tilespmem:s7], [sflag:$0x2], $0x4000, $0x38;
	[tilespmem:$0x4080] =	vst v63  }
0x8b: {  	_ =	swait.ge [sflag:s5], $0x4000  }
0x8c: {  	[sflag:s5] =	ssyncset.done $0x0  }
0x8d: {  	[sflag:s5] =	ssyncadd.s32 $0xFFFFC000  }
0x8e: {  	[tilespmem:s4], [sflag:$0x2] =	stream.linear.gather [hbm4b:s18+s4], $0x80, $0x38;
	[tilespmem:$0x4080] =	vst v63  }
0x8f: {  	_ =	swait.ge [sflag:s5], $0x80  }
0x90: {  	[sflag:s5] =	ssyncset.done $0x0  }
0x91: {  	[sflag:s5] =	ssyncadd.s32 $0xFFFFFF80  }
0x92: {  	[tilespmem:s7], [sflag:$0x1] =	stream.indirect.gather [hbm4b:s2+s7], $0x80, s4, s7, $0xb8;
	[tilespmem:$0x4080] =	vst v63  }
0x93: {  	_ =	swait.ge [sflag:s8], $0x4000  }
.Ltmp1:
0x94: {  	[sflag:s8] =	ssyncset.done $0x0;
	(pc) =	sbr.rel @p0 .LBB2_1-.Ltmp1, $4  }
0x95: {  	[sflag:s8] =	ssyncadd.s32 $0xFFFFC000  }
0x96: {  	[hbm4b:s19+s4] =	stream.linear.scatter [tilespmem:s7], [sflag:$0x2], $0x4000, $0x38;
	[tilespmem:$0x4080] =	vst v63  }
0x97: {  	_ =	swait.ge [sflag:s5], $0x4000  }
0x98: {  	[sflag:s5] =	ssyncset.done $0x0  }
.LBB2_2:
0x99: {  	[sflag:s5] =	ssyncadd.s32 $0xFFFFC000  }
0x9a: {  	_ =	sfence.sel $0x180000  }
0x9b: {  	[bflag:$0x0] =	sbarrier.arrive $0xFFFF  }
0x9c: {  	p0 =	sne.s32 s1, $0x0;
	_ =	strace $0x90000050  }
0x9d: {  	s0 =	sadd.s32 @!p0 $0x100000, s3;
	[bflag:$0x2] =	sbarrier.arrive $0xFFFF  }
0x9e: {  	[sflag:s0] =	ssyncadd.tile.s32 @!p0 $0x1;
	_ =	shalt  }
.Lfunc_end2:
_tile_overlayer_lowered:
.L_overlay_start_2:
0x9f: {  	(tag) =	ssettag $0x2  }
0xa0: {  	s0 =	rddreg [dreg:$0x0];
	s2 =	stileid.u32  }
0xa1: {  	s1 =	rddreg [dreg:$0x1];
	p0 =	sne.s32 s2, $0x0  }
0xa2: {  	s3 =	rddreg [dreg:$0x2];
	[bflag:$0x3] =	sbarrier.arrive $0xFFFF;
	s2 =	simm.s32 @!p0 $0x1C02  }
0xa3: {  	[timem:s3], [sflag:s2] =	dma.local @!p0 [hbm:s0], s1  }
0xa4: {  	s0 =	simm.s32 @!p0 $0x2  }
0xa5: {  	_ =	swait.ge @!p0 [sflag:s0], s1  }
0xa6: {  	s1 =	ssub.s32 @!p0 $0x0, s1;
	[sflag:s0] =	ssyncset.done @!p0 $0x0  }
0xa7: {  	[sflag:s0] =	ssyncadd.s32 @!p0 s1  }
0xa8: {  	[bflag:$0x3] =	sbarrier.arrive $0xFFFF  }
0xa9: {  	_ =	shalt  }

</sc_bundles>
